<compile_context>
chip_gen: v7x
topology: tpu7x:2x2x1
jax: 0.10.2.dev20260603
libtpu: 0.0.44.dev20260713+nightly
codegen_flags: <defaults>
</compile_context>

<pallas_src>
import jax
import jax.numpy as jnp
from jax import lax
from jax.experimental import pallas as pl
from jax.experimental.pallas import tpu as pltpu, tpu_sc as plsc

E = 320000
NB = E // 128
NC = 2
NS = 16
NW = NC * NS
WB = NB // NW
XW = NB % NW
CB = 16
CE = CB * 128
MAXB = WB + 1
NCHK = (MAXB + CB - 1) // CB
L = 16


def _edge_update(vj8, ea16, outp, pidx, aidx, vjb, eab, obb, isems, osems):
    cid = lax.axis_index("c")
    sid = lax.axis_index("s")
    wid = sid * NC + cid
    b0 = wid * WB + jnp.minimum(wid, XW)
    nb = WB + (wid < XW).astype(jnp.int32)
    e0 = b0 * 128
    lanes = lax.iota(jnp.int32, L)
    c3 = jnp.full((L,), 3, jnp.int32)

    def build_pidx(i, carry):
        for u in range(4):
            o = i * (4 * L) + u * L
            pidx[pl.ds(o, L)] = (e0 + o + lanes) * 16
        return carry

    def build_aidx(i, carry):
        for u in range(4):
            o = i * (4 * L) + u * L
            j = o + lanes
            aidx[pl.ds(o, L)] = (b0 + (j >> 3)) * 64 + (j & 7)
        return carry

    def start_of(c):
        return jnp.minimum(c * CB, nb - CB)

    def gather_copies(c, slot):
        st = start_of(c)
        pcp = pltpu.make_async_copy(
            vj8.at[pidx.at[pl.ds(st * 128, CE)]], vjb.at[slot], isems.at[slot])
        acp = pltpu.make_async_copy(
            ea16.at[aidx.at[pl.ds(st * 8, CB * 8)]], eab.at[slot],
            isems.at[slot])
        return pcp, acp

    def out_copy(c, slot):
        return pltpu.make_async_copy(
            obb.at[slot], outp.at[pl.ds((b0 + start_of(c)) * 256, CB * 256)],
            osems.at[slot])

    UL = 4 * L
    lax.fori_loop(0, CE // UL, build_pidx, 0)
    lax.fori_loop(0, (CB * 8) // UL, build_aidx, 0)
    for cp in gather_copies(0, 0):
        cp.start()
    lax.fori_loop(CE // UL, (MAXB * 128) // UL, build_pidx, 0)
    lax.fori_loop((CB * 8) // UL, (MAXB * 8 + UL - 1) // UL, build_aidx, 0)

    def chunk(c, carry):
        slot = lax.rem(c, 2)
        nslot = lax.rem(c + 1, 2)

        @pl.when(c + 1 < NCHK)
        def _():
            for cp in gather_copies(c + 1, nslot):
                cp.start()

        for cp in gather_copies(c, slot):
            cp.wait()

        @pl.when(c >= 2)
        def _():
            out_copy(c - 2, slot).wait()

        ob = obb.at[slot]

        def block(b, carry2):
            for m in range(8):
                jj = b * 8 + m
                a = eab[slot, jj, :]
                p = plsc.load_gather(
                    vjb.at[slot], [b * 128 + m * L + lanes, c3])
                ob[pl.ds(b * 256 + m * L, L)] = a
                ob[pl.ds(b * 256 + 128 + m * L, L)] = a * p
            return carry2

        lax.fori_loop(0, CB, block, 0)
        out_copy(c, slot).start()
        return carry

    lax.fori_loop(0, NCHK, chunk, 0)
    out_copy(NCHK - 2, lax.rem(NCHK - 2, 2)).wait()
    out_copy(NCHK - 1, lax.rem(NCHK - 1, 2)).wait()


def kernel(vattr_i, vattr_j, edge_attr, g, batch):
    vj8 = vattr_j.reshape(E * 16, 8)
    ea16 = (
        edge_attr.reshape(NB, 128, 2, 8).transpose(2, 0, 3, 1).reshape(E, 16)
    )
    mesh = plsc.VectorSubcoreMesh(core_axis_name="c", subcore_axis_name="s")
    f = pl.kernel(
        _edge_update,
        out_type=jax.ShapeDtypeStruct((E * 2,), jnp.float32),
        mesh=mesh,
        compiler_params=pltpu.CompilerParams(
            use_tc_tiling_on_sc=False,
            needs_layout_passes=False,
        ),
        scratch_types=[
            pltpu.VMEM((MAXB * 128,), jnp.int32),
            pltpu.VMEM((MAXB * 8 + 8,), jnp.int32),
            pltpu.VMEM((2, CE, 8), jnp.float32),
            pltpu.VMEM((2, CB * 8, 16), jnp.float32),
            pltpu.VMEM((2, CB * 256), jnp.float32),
            pltpu.SemaphoreType.DMA((2,)),
            pltpu.SemaphoreType.DMA((2,)),
        ],
    )
    outp = f(vj8, ea16)
    return outp.reshape(NB, 2, 128).transpose(0, 2, 1).reshape(E, 2)

# --- scband reference (transcript-rebuilt; emitter-appended) ---
"""Pipeline reference for scband-iter-greater-than1-layer1-edge-update-91096256348941 (READ-ONLY COPY).

The authoritative reference and input builder live on the scoring server;
editing this copy changes nothing except your own understanding.
"""

import jax, jax.numpy as jnp
import numpy as np

E = 320000
D_FEAT = 128
D_EDGE = 16

def setup_inputs(seed: int = 0) -> dict:
    key = jax.random.key(seed)
    k1, k2, k3, k4 = jax.random.split(key, 4)
    vattr_i = jax.random.normal(k1, (E, D_FEAT), dtype=jnp.float32)
    vattr_j = jax.random.normal(k2, (E, D_FEAT), dtype=jnp.float32)
    edge_attr = jax.random.normal(k3, (E, D_EDGE), dtype=jnp.float32)
    g = jax.random.normal(k4, (1, D_FEAT), dtype=jnp.float32)
    batch = jnp.zeros((E,), dtype=jnp.int64)
    return {"vattr_i": vattr_i, "vattr_j": vattr_j, "edge_attr": edge_attr, "g": g, "batch": batch}

def reference(vattr_i, vattr_j, edge_attr, g, batch):
    # A_ij = edge_attr[:, 0].view(-1, 1)
    A_ij = edge_attr[:, 0].reshape(-1, 1)
    # p_i = vattr_j[:, 3].view(-1, 1)
    p_i = vattr_j[:, 3].reshape(-1, 1)
    z_ij = A_ij * p_i
    return jnp.concatenate([A_ij, z_ij], axis=1)

if __name__ == "__main__":
    import jax
    _d = setup_inputs()
    print(jax.jit(kernel)(*tuple(_d.values())))

</pallas_src>

<mosaic_0001>
#map = affine_map<(d0, d1) -> (0, 0)>
#map1 = affine_map<(d0, d1) -> (0)>
module attributes {stable_mosaic.version = 14 : i64} {
  func.func @_edge_update(%arg0: i32, %arg1: i32, %arg2: memref<5120000x8xf32, #tpu.memory_space<hbm>>, %arg3: memref<320000x16xf32, #tpu.memory_space<hbm>>, %arg4: memref<640000xf32, #tpu.memory_space<hbm>>, %arg5: memref<10112xi32, #tpu.memory_space<vmem>>, %arg6: memref<640xi32, #tpu.memory_space<vmem>>, %arg7: memref<2x2048x8xf32, #tpu.memory_space<vmem>>, %arg8: memref<2x128x16xf32, #tpu.memory_space<vmem>>, %arg9: memref<2x4096xf32, #tpu.memory_space<vmem>>, %arg10: memref<2x!tpu.dma_semaphore, #tpu.memory_space<semaphore_mem>>, %arg11: memref<2x!tpu.dma_semaphore, #tpu.memory_space<semaphore_mem>>) attributes {dimension_semantics = [#tpu.dimension_semantics<core_parallel>, #tpu.dimension_semantics<subcore_parallel>], iteration_bounds = array<i64: 2, 16>, scalar_prefetch = 0 : i64, scratch_operands = 7 : i64, tpu.core_type = #tpu.core_type<sc_vector_subcore>, window_params = [{transform_indices = #map}, {transform_indices = #map}, {transform_indices = #map1}]} {
    %mul3A = arith.constant 2 : i32
    %mul3A_0 = arith.muli %arg1, %mul3A : i32
    %add3A = arith.addi %mul3A_0, %arg0 : i32
    %mul3A_1 = arith.constant 78 : i32
    %mul3A_2 = arith.muli %add3A, %mul3A_1 : i32
    %min3A = arith.constant 4 : i32
    %min3A_3 = arith.minsi %add3A, %min3A : i32
    %add3A_4 = arith.addi %mul3A_2, %min3A_3 : i32
    %lt3A = arith.constant 4 : i32
    %lt3A_5 = arith.cmpi slt, %add3A, %lt3A : i32
    %convert_element_type3A = arith.extui %lt3A_5 : i1 to i32
    %add3A_6 = arith.constant 78 : i32
    %add3A_7 = arith.addi %add3A_6, %convert_element_type3A : i32
    %mul3A_8 = arith.constant 128 : i32
    %mul3A_9 = arith.muli %add3A_4, %mul3A_8 : i32
    %iota3A = tpu.iota {dimensions = array<i32: 0>} : vector<16xi32>
    %broadcast_in_dim3A = arith.constant 3 : i32
    %broadcast_in_dim3A_10 = vector.broadcast %broadcast_in_dim3A : i32 to vector<16xi32>
    %scan3A = arith.constant 0 : i32
    %scan3A_11 = arith.constant 0 : i32
    %scan3A_12 = arith.constant 32 : i32
    %scan3A_13 = arith.addi %scan3A_11, %scan3A_12 : i32
    %scan3A_14 = arith.constant 1 : i32
    scf.for %scan3A_108 = %scan3A_11 to %scan3A_13 step %scan3A_14  : i32 {
      %mul3A_109 = arith.constant 64 : i32
      %mul3A_110 = arith.muli %scan3A_108, %mul3A_109 : i32
      %add3A_111 = arith.constant 0 : i32
      %add3A_112 = arith.addi %mul3A_110, %add3A_111 : i32
      %add3A_113 = arith.addi %mul3A_9, %add3A_112 : i32
      %add3A_114 = vector.broadcast %add3A_113 : i32 to vector<16xi32>
      %add3A_115 = arith.addi %add3A_114, %iota3A : vector<16xi32>
      %mul3A_116 = arith.constant 16 : i32
      %mul3A_117 = vector.broadcast %mul3A_116 : i32 to vector<16xi32>
      %mul3A_118 = arith.muli %add3A_115, %mul3A_117 : vector<16xi32>
      %swap3A = arith.index_cast %add3A_112 : i32 to index
      %swap3A_119 = tpu.vector_load %arg5[%swap3A] {strides = array<i32>} : memref<10112xi32, #tpu.memory_space<vmem>>, vector<16xi32>,
      tpu.vector_store %arg5[%swap3A], %mul3A_118 {strides = array<i32>} : memref<10112xi32, #tpu.memory_space<vmem>>, vector<16xi32>,
      %mul3A_120 = arith.constant 64 : i32
      %mul3A_121 = arith.muli %scan3A_108, %mul3A_120 : i32
      %add3A_122 = arith.constant 16 : i32
      %add3A_123 = arith.addi %mul3A_121, %add3A_122 : i32
      %add3A_124 = arith.addi %mul3A_9, %add3A_123 : i32
      %add3A_125 = vector.broadcast %add3A_124 : i32 to vector<16xi32>
      %add3A_126 = arith.addi %add3A_125, %iota3A : vector<16xi32>
      %mul3A_127 = arith.constant 16 : i32
      %mul3A_128 = vector.broadcast %mul3A_127 : i32 to vector<16xi32>
      %mul3A_129 = arith.muli %add3A_126, %mul3A_128 : vector<16xi32>
      %swap3A_130 = arith.index_cast %add3A_123 : i32 to index
      %swap3A_131 = tpu.vector_load %arg5[%swap3A_130] {strides = array<i32>} : memref<10112xi32, #tpu.memory_space<vmem>>, vector<16xi32>,
      tpu.vector_store %arg5[%swap3A_130], %mul3A_129 {strides = array<i32>} : memref<10112xi32, #tpu.memory_space<vmem>>, vector<16xi32>,
      %mul3A_132 = arith.constant 64 : i32
      %mul3A_133 = arith.muli %scan3A_108, %mul3A_132 : i32
      %add3A_134 = arith.constant 32 : i32
      %add3A_135 = arith.addi %mul3A_133, %add3A_134 : i32
      %add3A_136 = arith.addi %mul3A_9, %add3A_135 : i32
      %add3A_137 = vector.broadcast %add3A_136 : i32 to vector<16xi32>
      %add3A_138 = arith.addi %add3A_137, %iota3A : vector<16xi32>
      %mul3A_139 = arith.constant 16 : i32
      %mul3A_140 = vector.broadcast %mul3A_139 : i32 to vector<16xi32>
      %mul3A_141 = arith.muli %add3A_138, %mul3A_140 : vector<16xi32>
      %swap3A_142 = arith.index_cast %add3A_135 : i32 to index
      %swap3A_143 = tpu.vector_load %arg5[%swap3A_142] {strides = array<i32>} : memref<10112xi32, #tpu.memory_space<vmem>>, vector<16xi32>,
      tpu.vector_store %arg5[%swap3A_142], %mul3A_141 {strides = array<i32>} : memref<10112xi32, #tpu.memory_space<vmem>>, vector<16xi32>,
      %mul3A_144 = arith.constant 64 : i32
      %mul3A_145 = arith.muli %scan3A_108, %mul3A_144 : i32
      %add3A_146 = arith.constant 48 : i32
      %add3A_147 = arith.addi %mul3A_145, %add3A_146 : i32
      %add3A_148 = arith.addi %mul3A_9, %add3A_147 : i32
      %add3A_149 = vector.broadcast %add3A_148 : i32 to vector<16xi32>
      %add3A_150 = arith.addi %add3A_149, %iota3A : vector<16xi32>
      %mul3A_151 = arith.constant 16 : i32
      %mul3A_152 = vector.broadcast %mul3A_151 : i32 to vector<16xi32>
      %mul3A_153 = arith.muli %add3A_150, %mul3A_152 : vector<16xi32>
      %swap3A_154 = arith.index_cast %add3A_147 : i32 to index
      %swap3A_155 = tpu.vector_load %arg5[%swap3A_154] {strides = array<i32>} : memref<10112xi32, #tpu.memory_space<vmem>>, vector<16xi32>,
      tpu.vector_store %arg5[%swap3A_154], %mul3A_153 {strides = array<i32>} : memref<10112xi32, #tpu.memory_space<vmem>>, vector<16xi32>,
    }
    %scan3A_15 = arith.constant 32 : i32
    %scan3A_16 = arith.constant 0 : i32
    %scan3A_17 = arith.constant 0 : i32
    %scan3A_18 = arith.constant 2 : i32
    %scan3A_19 = arith.addi %scan3A_17, %scan3A_18 : i32
    %scan3A_20 = arith.constant 1 : i32
    scf.for %scan3A_108 = %scan3A_17 to %scan3A_19 step %scan3A_20  : i32 {
      %mul3A_109 = arith.constant 64 : i32
      %mul3A_110 = arith.muli %scan3A_108, %mul3A_109 : i32
      %add3A_111 = arith.constant 0 : i32
      %add3A_112 = arith.addi %mul3A_110, %add3A_111 : i32
      %add3A_113 = vector.broadcast %add3A_112 : i32 to vector<16xi32>
      %add3A_114 = arith.addi %add3A_113, %iota3A : vector<16xi32>
      %shift_right_arithmetic3A = arith.constant 3 : i32
      %shift_right_arithmetic3A_115 = vector.broadcast %shift_right_arithmetic3A : i32 to vector<16xi32>
      %shift_right_arithmetic3A_116 = arith.shrsi %add3A_114, %shift_right_arithmetic3A_115 : vector<16xi32>
      %add3A_117 = vector.broadcast %add3A_4 : i32 to vector<16xi32>
      %add3A_118 = arith.addi %add3A_117, %shift_right_arithmetic3A_116 : vector<16xi32>
      %mul3A_119 = arith.constant 64 : i32
      %mul3A_120 = vector.broadcast %mul3A_119 : i32 to vector<16xi32>
      %mul3A_121 = arith.muli %add3A_118, %mul3A_120 : vector<16xi32>
      %and3A = arith.constant 7 : i32
      %and3A_122 = vector.broadcast %and3A : i32 to vector<16xi32>
      %and3A_123 = arith.andi %add3A_114, %and3A_122 : vector<16xi32>
      %add3A_124 = arith.addi %mul3A_121, %and3A_123 : vector<16xi32>
      %swap3A = arith.index_cast %add3A_112 : i32 to index
      %swap3A_125 = tpu.vector_load %arg6[%swap3A] {strides = array<i32>} : memref<640xi32, #tpu.memory_space<vmem>>, vector<16xi32>,
      tpu.vector_store %arg6[%swap3A], %add3A_124 {strides = array<i32>} : memref<640xi32, #tpu.memory_space<vmem>>, vector<16xi32>,
      %mul3A_126 = arith.constant 64 : i32
      %mul3A_127 = arith.muli %scan3A_108, %mul3A_126 : i32
      %add3A_128 = arith.constant 16 : i32
      %add3A_129 = arith.addi %mul3A_127, %add3A_128 : i32
      %add3A_130 = vector.broadcast %add3A_129 : i32 to vector<16xi32>
      %add3A_131 = arith.addi %add3A_130, %iota3A : vector<16xi32>
      %shift_right_arithmetic3A_132 = arith.constant 3 : i32
      %shift_right_arithmetic3A_133 = vector.broadcast %shift_right_arithmetic3A_132 : i32 to vector<16xi32>
      %shift_right_arithmetic3A_134 = arith.shrsi %add3A_131, %shift_right_arithmetic3A_133 : vector<16xi32>
      %add3A_135 = vector.broadcast %add3A_4 : i32 to vector<16xi32>
      %add3A_136 = arith.addi %add3A_135, %shift_right_arithmetic3A_134 : vector<16xi32>
      %mul3A_137 = arith.constant 64 : i32
      %mul3A_138 = vector.broadcast %mul3A_137 : i32 to vector<16xi32>
      %mul3A_139 = arith.muli %add3A_136, %mul3A_138 : vector<16xi32>
      %and3A_140 = arith.constant 7 : i32
      %and3A_141 = vector.broadcast %and3A_140 : i32 to vector<16xi32>
      %and3A_142 = arith.andi %add3A_131, %and3A_141 : vector<16xi32>
      %add3A_143 = arith.addi %mul3A_139, %and3A_142 : vector<16xi32>
      %swap3A_144 = arith.index_cast %add3A_129 : i32 to index
      %swap3A_145 = tpu.vector_load %arg6[%swap3A_144] {strides = array<i32>} : memref<640xi32, #tpu.memory_space<vmem>>, vector<16xi32>,
      tpu.vector_store %arg6[%swap3A_144], %add3A_143 {strides = array<i32>} : memref<640xi32, #tpu.memory_space<vmem>>, vector<16xi32>,
      %mul3A_146 = arith.constant 64 : i32
      %mul3A_147 = arith.muli %scan3A_108, %mul3A_146 : i32
      %add3A_148 = arith.constant 32 : i32
      %add3A_149 = arith.addi %mul3A_147, %add3A_148 : i32
      %add3A_150 = vector.broadcast %add3A_149 : i32 to vector<16xi32>
      %add3A_151 = arith.addi %add3A_150, %iota3A : vector<16xi32>
      %shift_right_arithmetic3A_152 = arith.constant 3 : i32
      %shift_right_arithmetic3A_153 = vector.broadcast %shift_right_arithmetic3A_152 : i32 to vector<16xi32>
      %shift_right_arithmetic3A_154 = arith.shrsi %add3A_151, %shift_right_arithmetic3A_153 : vector<16xi32>
      %add3A_155 = vector.broadcast %add3A_4 : i32 to vector<16xi32>
      %add3A_156 = arith.addi %add3A_155, %shift_right_arithmetic3A_154 : vector<16xi32>
      %mul3A_157 = arith.constant 64 : i32
      %mul3A_158 = vector.broadcast %mul3A_157 : i32 to vector<16xi32>
      %mul3A_159 = arith.muli %add3A_156, %mul3A_158 : vector<16xi32>
      %and3A_160 = arith.constant 7 : i32
      %and3A_161 = vector.broadcast %and3A_160 : i32 to vector<16xi32>
      %and3A_162 = arith.andi %add3A_151, %and3A_161 : vector<16xi32>
      %add3A_163 = arith.addi %mul3A_159, %and3A_162 : vector<16xi32>
      %swap3A_164 = arith.index_cast %add3A_149 : i32 to index
      %swap3A_165 = tpu.vector_load %arg6[%swap3A_164] {strides = array<i32>} : memref<640xi32, #tpu.memory_space<vmem>>, vector<16xi32>,
      tpu.vector_store %arg6[%swap3A_164], %add3A_163 {strides = array<i32>} : memref<640xi32, #tpu.memory_space<vmem>>, vector<16xi32>,
      %mul3A_166 = arith.constant 64 : i32
      %mul3A_167 = arith.muli %scan3A_108, %mul3A_166 : i32
      %add3A_168 = arith.constant 48 : i32
      %add3A_169 = arith.addi %mul3A_167, %add3A_168 : i32
      %add3A_170 = vector.broadcast %add3A_169 : i32 to vector<16xi32>
      %add3A_171 = arith.addi %add3A_170, %iota3A : vector<16xi32>
      %shift_right_arithmetic3A_172 = arith.constant 3 : i32
      %shift_right_arithmetic3A_173 = vector.broadcast %shift_right_arithmetic3A_172 : i32 to vector<16xi32>
      %shift_right_arithmetic3A_174 = arith.shrsi %add3A_171, %shift_right_arithmetic3A_173 : vector<16xi32>
      %add3A_175 = vector.broadcast %add3A_4 : i32 to vector<16xi32>
      %add3A_176 = arith.addi %add3A_175, %shift_right_arithmetic3A_174 : vector<16xi32>
      %mul3A_177 = arith.constant 64 : i32
      %mul3A_178 = vector.broadcast %mul3A_177 : i32 to vector<16xi32>
      %mul3A_179 = arith.muli %add3A_176, %mul3A_178 : vector<16xi32>
      %and3A_180 = arith.constant 7 : i32
      %and3A_181 = vector.broadcast %and3A_180 : i32 to vector<16xi32>
      %and3A_182 = arith.andi %add3A_171, %and3A_181 : vector<16xi32>
      %add3A_183 = arith.addi %mul3A_179, %and3A_182 : vector<16xi32>
      %swap3A_184 = arith.index_cast %add3A_169 : i32 to index
      %swap3A_185 = tpu.vector_load %arg6[%swap3A_184] {strides = array<i32>} : memref<640xi32, #tpu.memory_space<vmem>>, vector<16xi32>,
      tpu.vector_store %arg6[%swap3A_184], %add3A_183 {strides = array<i32>} : memref<640xi32, #tpu.memory_space<vmem>>, vector<16xi32>,
    }
    %scan3A_21 = arith.constant 2 : i32
    %sub3A = arith.constant 16 : i32
    %sub3A_22 = arith.subi %add3A_7, %sub3A : i32
    %min3A_23 = arith.constant 0 : i32
    %min3A_24 = arith.minsi %min3A_23, %sub3A_22 : i32
    %mul3A_25 = arith.constant 128 : i32
    %mul3A_26 = arith.muli %min3A_24, %mul3A_25 : i32
    %mul3A_27 = arith.constant 8 : i32
    %mul3A_28 = arith.muli %min3A_24, %mul3A_27 : i32
    %dma_start3A = arith.constant 0 : i32
    %dma_start3A_29 = arith.constant 0 : i32
    %dma_start3A_30 = arith.constant 0 : i32
    %dma_start3A_31 = arith.constant 0 : i32
    %dma_start3A_32 = tpu.memref_slice %arg7[%dma_start3A, %dma_start3A_30, %dma_start3A_31] : memref<2x2048x8xf32, #tpu.memory_space<vmem>> -> memref<1x2048x8xf32, #tpu.memory_space<vmem>>
    %dma_start3A_33 = tpu.memref_squeeze %dma_start3A_32 : memref<1x2048x8xf32, #tpu.memory_space<vmem>> -> memref<2048x8xf32, #tpu.memory_space<vmem>>
    %dma_start3A_34 = tpu.memref_slice %arg5[%mul3A_26] : memref<10112xi32, #tpu.memory_space<vmem>> -> memref<2048xi32, #tpu.memory_space<vmem>>
    %dma_start3A_35 = arith.constant 0 : i32
    %dma_start3A_36 = arith.constant 0 : i32
    %dma_start3A_37 = tpu.memref_slice %arg2[%dma_start3A_35, %dma_start3A_36] : memref<5120000x8xf32, #tpu.memory_space<hbm>> -> memref<5120000x8xf32, #tpu.memory_space<hbm>>
    %dma_start3A_38 = tpu.memref_slice %arg10[%dma_start3A_29] : memref<2x!tpu.dma_semaphore, #tpu.memory_space<semaphore_mem>> -> memref<1x!tpu.dma_semaphore, #tpu.memory_space<semaphore_mem>>
    %dma_start3A_39 = tpu.memref_squeeze %dma_start3A_38 : memref<1x!tpu.dma_semaphore, #tpu.memory_space<semaphore_mem>> -> memref<!tpu.dma_semaphore, #tpu.memory_space<semaphore_mem>>
    tpu.enqueue_indirect_dma source(%dma_start3A_37 : memref<5120000x8xf32, #tpu.memory_space<hbm>>) target(%dma_start3A_33 : memref<2048x8xf32, #tpu.memory_space<vmem>>) offsets(%dma_start3A_34 : memref<2048xi32, #tpu.memory_space<vmem>>) semaphore(%dma_start3A_39 : memref<!tpu.dma_semaphore, #tpu.memory_space<semaphore_mem>>)
    %dma_start3A_40 = arith.constant 0 : i32
    %dma_start3A_41 = arith.constant 0 : i32
    %dma_start3A_42 = arith.constant 0 : i32
    %dma_start3A_43 = arith.constant 0 : i32
    %dma_start3A_44 = tpu.memref_slice %arg8[%dma_start3A_40, %dma_start3A_42, %dma_start3A_43] : memref<2x128x16xf32, #tpu.memory_space<vmem>> -> memref<1x128x16xf32, #tpu.memory_space<vmem>>
    %dma_start3A_45 = tpu.memref_squeeze %dma_start3A_44 : memref<1x128x16xf32, #tpu.memory_space<vmem>> -> memref<128x16xf32, #tpu.memory_space<vmem>>
    %dma_start3A_46 = tpu.memref_slice %arg6[%mul3A_28] : memref<640xi32, #tpu.memory_space<vmem>> -> memref<128xi32, #tpu.memory_space<vmem>>
    %dma_start3A_47 = arith.constant 0 : i32
    %dma_start3A_48 = arith.constant 0 : i32
    %dma_start3A_49 = tpu.memref_slice %arg3[%dma_start3A_47, %dma_start3A_48] : memref<320000x16xf32, #tpu.memory_space<hbm>> -> memref<320000x16xf32, #tpu.memory_space<hbm>>
    %dma_start3A_50 = tpu.memref_slice %arg10[%dma_start3A_41] : memref<2x!tpu.dma_semaphore, #tpu.memory_space<semaphore_mem>> -> memref<1x!tpu.dma_semaphore, #tpu.memory_space<semaphore_mem>>
    %dma_start3A_51 = tpu.memref_squeeze %dma_start3A_50 : memref<1x!tpu.dma_semaphore, #tpu.memory_space<semaphore_mem>> -> memref<!tpu.dma_semaphore, #tpu.memory_space<semaphore_mem>>
    tpu.enqueue_indirect_dma source(%dma_start3A_49 : memref<320000x16xf32, #tpu.memory_space<hbm>>) target(%dma_start3A_45 : memref<128x16xf32, #tpu.memory_space<vmem>>) offsets(%dma_start3A_46 : memref<128xi32, #tpu.memory_space<vmem>>) semaphore(%dma_start3A_51 : memref<!tpu.dma_semaphore, #tpu.memory_space<semaphore_mem>>)
    %scan3A_52 = arith.constant 0 : i32
    %scan3A_53 = arith.constant 32 : i32
    %scan3A_54 = arith.constant 126 : i32
    %scan3A_55 = arith.addi %scan3A_53, %scan3A_54 : i32
    %scan3A_56 = arith.constant 1 : i32
    scf.for %scan3A_108 = %scan3A_53 to %scan3A_55 step %scan3A_56  : i32 {
      %mul3A_109 = arith.constant 64 : i32
      %mul3A_110 = arith.muli %scan3A_108, %mul3A_109 : i32
      %add3A_111 = arith.constant 0 : i32
      %add3A_112 = arith.addi %mul3A_110, %add3A_111 : i32
      %add3A_113 = arith.addi %mul3A_9, %add3A_112 : i32
      %add3A_114 = vector.broadcast %add3A_113 : i32 to vector<16xi32>
      %add3A_115 = arith.addi %add3A_114, %iota3A : vector<16xi32>
      %mul3A_116 = arith.constant 16 : i32
      %mul3A_117 = vector.broadcast %mul3A_116 : i32 to vector<16xi32>
      %mul3A_118 = arith.muli %add3A_115, %mul3A_117 : vector<16xi32>
      %swap3A = arith.index_cast %add3A_112 : i32 to index
      %swap3A_119 = tpu.vector_load %arg5[%swap3A] {strides = array<i32>} : memref<10112xi32, #tpu.memory_space<vmem>>, vector<16xi32>,
      tpu.vector_store %arg5[%swap3A], %mul3A_118 {strides = array<i32>} : memref<10112xi32, #tpu.memory_space<vmem>>, vector<16xi32>,
      %mul3A_120 = arith.constant 64 : i32
      %mul3A_121 = arith.muli %scan3A_108, %mul3A_120 : i32
      %add3A_122 = arith.constant 16 : i32
      %add3A_123 = arith.addi %mul3A_121, %add3A_122 : i32
      %add3A_124 = arith.addi %mul3A_9, %add3A_123 : i32
      %add3A_125 = vector.broadcast %add3A_124 : i32 to vector<16xi32>
      %add3A_126 = arith.addi %add3A_125, %iota3A : vector<16xi32>
      %mul3A_127 = arith.constant 16 : i32
      %mul3A_128 = vector.broadcast %mul3A_127 : i32 to vector<16xi32>
      %mul3A_129 = arith.muli %add3A_126, %mul3A_128 : vector<16xi32>
      %swap3A_130 = arith.index_cast %add3A_123 : i32 to index
      %swap3A_131 = tpu.vector_load %arg5[%swap3A_130] {strides = array<i32>} : memref<10112xi32, #tpu.memory_space<vmem>>, vector<16xi32>,
      tpu.vector_store %arg5[%swap3A_130], %mul3A_129 {strides = array<i32>} : memref<10112xi32, #tpu.memory_space<vmem>>, vector<16xi32>,
      %mul3A_132 = arith.constant 64 : i32
      %mul3A_133 = arith.muli %scan3A_108, %mul3A_132 : i32
      %add3A_134 = arith.constant 32 : i32
      %add3A_135 = arith.addi %mul3A_133, %add3A_134 : i32
      %add3A_136 = arith.addi %mul3A_9, %add3A_135 : i32
      %add3A_137 = vector.broadcast %add3A_136 : i32 to vector<16xi32>
      %add3A_138 = arith.addi %add3A_137, %iota3A : vector<16xi32>
      %mul3A_139 = arith.constant 16 : i32
      %mul3A_140 = vector.broadcast %mul3A_139 : i32 to vector<16xi32>
      %mul3A_141 = arith.muli %add3A_138, %mul3A_140 : vector<16xi32>
      %swap3A_142 = arith.index_cast %add3A_135 : i32 to index
      %swap3A_143 = tpu.vector_load %arg5[%swap3A_142] {strides = array<i32>} : memref<10112xi32, #tpu.memory_space<vmem>>, vector<16xi32>,
      tpu.vector_store %arg5[%swap3A_142], %mul3A_141 {strides = array<i32>} : memref<10112xi32, #tpu.memory_space<vmem>>, vector<16xi32>,
      %mul3A_144 = arith.constant 64 : i32
      %mul3A_145 = arith.muli %scan3A_108, %mul3A_144 : i32
      %add3A_146 = arith.constant 48 : i32
      %add3A_147 = arith.addi %mul3A_145, %add3A_146 : i32
      %add3A_148 = arith.addi %mul3A_9, %add3A_147 : i32
      %add3A_149 = vector.broadcast %add3A_148 : i32 to vector<16xi32>
      %add3A_150 = arith.addi %add3A_149, %iota3A : vector<16xi32>
      %mul3A_151 = arith.constant 16 : i32
      %mul3A_152 = vector.broadcast %mul3A_151 : i32 to vector<16xi32>
      %mul3A_153 = arith.muli %add3A_150, %mul3A_152 : vector<16xi32>
      %swap3A_154 = arith.index_cast %add3A_147 : i32 to index
      %swap3A_155 = tpu.vector_load %arg5[%swap3A_154] {strides = array<i32>} : memref<10112xi32, #tpu.memory_space<vmem>>, vector<16xi32>,
      tpu.vector_store %arg5[%swap3A_154], %mul3A_153 {strides = array<i32>} : memref<10112xi32, #tpu.memory_space<vmem>>, vector<16xi32>,
    }
    %scan3A_57 = arith.constant 126 : i32
    %scan3A_58 = arith.constant 0 : i32
    %scan3A_59 = arith.constant 2 : i32
    %scan3A_60 = arith.constant 8 : i32
    %scan3A_61 = arith.addi %scan3A_59, %scan3A_60 : i32
    %scan3A_62 = arith.constant 1 : i32
    scf.for %scan3A_108 = %scan3A_59 to %scan3A_61 step %scan3A_62  : i32 {
      %mul3A_109 = arith.constant 64 : i32
      %mul3A_110 = arith.muli %scan3A_108, %mul3A_109 : i32
      %add3A_111 = arith.constant 0 : i32
      %add3A_112 = arith.addi %mul3A_110, %add3A_111 : i32
      %add3A_113 = vector.broadcast %add3A_112 : i32 to vector<16xi32>
      %add3A_114 = arith.addi %add3A_113, %iota3A : vector<16xi32>
      %shift_right_arithmetic3A = arith.constant 3 : i32
      %shift_right_arithmetic3A_115 = vector.broadcast %shift_right_arithmetic3A : i32 to vector<16xi32>
      %shift_right_arithmetic3A_116 = arith.shrsi %add3A_114, %shift_right_arithmetic3A_115 : vector<16xi32>
      %add3A_117 = vector.broadcast %add3A_4 : i32 to vector<16xi32>
      %add3A_118 = arith.addi %add3A_117, %shift_right_arithmetic3A_116 : vector<16xi32>
      %mul3A_119 = arith.constant 64 : i32
      %mul3A_120 = vector.broadcast %mul3A_119 : i32 to vector<16xi32>
      %mul3A_121 = arith.muli %add3A_118, %mul3A_120 : vector<16xi32>
      %and3A = arith.constant 7 : i32
      %and3A_122 = vector.broadcast %and3A : i32 to vector<16xi32>
      %and3A_123 = arith.andi %add3A_114, %and3A_122 : vector<16xi32>
      %add3A_124 = arith.addi %mul3A_121, %and3A_123 : vector<16xi32>
      %swap3A = arith.index_cast %add3A_112 : i32 to index
      %swap3A_125 = tpu.vector_load %arg6[%swap3A] {strides = array<i32>} : memref<640xi32, #tpu.memory_space<vmem>>, vector<16xi32>,
      tpu.vector_store %arg6[%swap3A], %add3A_124 {strides = array<i32>} : memref<640xi32, #tpu.memory_space<vmem>>, vector<16xi32>,
      %mul3A_126 = arith.constant 64 : i32
      %mul3A_127 = arith.muli %scan3A_108, %mul3A_126 : i32
      %add3A_128 = arith.constant 16 : i32
      %add3A_129 = arith.addi %mul3A_127, %add3A_128 : i32
      %add3A_130 = vector.broadcast %add3A_129 : i32 to vector<16xi32>
      %add3A_131 = arith.addi %add3A_130, %iota3A : vector<16xi32>
      %shift_right_arithmetic3A_132 = arith.constant 3 : i32
      %shift_right_arithmetic3A_133 = vector.broadcast %shift_right_arithmetic3A_132 : i32 to vector<16xi32>
      %shift_right_arithmetic3A_134 = arith.shrsi %add3A_131, %shift_right_arithmetic3A_133 : vector<16xi32>
      %add3A_135 = vector.broadcast %add3A_4 : i32 to vector<16xi32>
      %add3A_136 = arith.addi %add3A_135, %shift_right_arithmetic3A_134 : vector<16xi32>
      %mul3A_137 = arith.constant 64 : i32
      %mul3A_138 = vector.broadcast %mul3A_137 : i32 to vector<16xi32>
      %mul3A_139 = arith.muli %add3A_136, %mul3A_138 : vector<16xi32>
      %and3A_140 = arith.constant 7 : i32
      %and3A_141 = vector.broadcast %and3A_140 : i32 to vector<16xi32>
      %and3A_142 = arith.andi %add3A_131, %and3A_141 : vector<16xi32>
      %add3A_143 = arith.addi %mul3A_139, %and3A_142 : vector<16xi32>
      %swap3A_144 = arith.index_cast %add3A_129 : i32 to index
      %swap3A_145 = tpu.vector_load %arg6[%swap3A_144] {strides = array<i32>} : memref<640xi32, #tpu.memory_space<vmem>>, vector<16xi32>,
      tpu.vector_store %arg6[%swap3A_144], %add3A_143 {strides = array<i32>} : memref<640xi32, #tpu.memory_space<vmem>>, vector<16xi32>,
      %mul3A_146 = arith.constant 64 : i32
      %mul3A_147 = arith.muli %scan3A_108, %mul3A_146 : i32
      %add3A_148 = arith.constant 32 : i32
      %add3A_149 = arith.addi %mul3A_147, %add3A_148 : i32
      %add3A_150 = vector.broadcast %add3A_149 : i32 to vector<16xi32>
      %add3A_151 = arith.addi %add3A_150, %iota3A : vector<16xi32>
      %shift_right_arithmetic3A_152 = arith.constant 3 : i32
      %shift_right_arithmetic3A_153 = vector.broadcast %shift_right_arithmetic3A_152 : i32 to vector<16xi32>
      %shift_right_arithmetic3A_154 = arith.shrsi %add3A_151, %shift_right_arithmetic3A_153 : vector<16xi32>
      %add3A_155 = vector.broadcast %add3A_4 : i32 to vector<16xi32>
      %add3A_156 = arith.addi %add3A_155, %shift_right_arithmetic3A_154 : vector<16xi32>
      %mul3A_157 = arith.constant 64 : i32
      %mul3A_158 = vector.broadcast %mul3A_157 : i32 to vector<16xi32>
      %mul3A_159 = arith.muli %add3A_156, %mul3A_158 : vector<16xi32>
      %and3A_160 = arith.constant 7 : i32
      %and3A_161 = vector.broadcast %and3A_160 : i32 to vector<16xi32>
      %and3A_162 = arith.andi %add3A_151, %and3A_161 : vector<16xi32>
      %add3A_163 = arith.addi %mul3A_159, %and3A_162 : vector<16xi32>
      %swap3A_164 = arith.index_cast %add3A_149 : i32 to index
      %swap3A_165 = tpu.vector_load %arg6[%swap3A_164] {strides = array<i32>} : memref<640xi32, #tpu.memory_space<vmem>>, vector<16xi32>,
      tpu.vector_store %arg6[%swap3A_164], %add3A_163 {strides = array<i32>} : memref<640xi32, #tpu.memory_space<vmem>>, vector<16xi32>,
      %mul3A_166 = arith.constant 64 : i32
      %mul3A_167 = arith.muli %scan3A_108, %mul3A_166 : i32
      %add3A_168 = arith.constant 48 : i32
      %add3A_169 = arith.addi %mul3A_167, %add3A_168 : i32
      %add3A_170 = vector.broadcast %add3A_169 : i32 to vector<16xi32>
      %add3A_171 = arith.addi %add3A_170, %iota3A : vector<16xi32>
      %shift_right_arithmetic3A_172 = arith.constant 3 : i32
      %shift_right_arithmetic3A_173 = vector.broadcast %shift_right_arithmetic3A_172 : i32 to vector<16xi32>
      %shift_right_arithmetic3A_174 = arith.shrsi %add3A_171, %shift_right_arithmetic3A_173 : vector<16xi32>
      %add3A_175 = vector.broadcast %add3A_4 : i32 to vector<16xi32>
      %add3A_176 = arith.addi %add3A_175, %shift_right_arithmetic3A_174 : vector<16xi32>
      %mul3A_177 = arith.constant 64 : i32
      %mul3A_178 = vector.broadcast %mul3A_177 : i32 to vector<16xi32>
      %mul3A_179 = arith.muli %add3A_176, %mul3A_178 : vector<16xi32>
      %and3A_180 = arith.constant 7 : i32
      %and3A_181 = vector.broadcast %and3A_180 : i32 to vector<16xi32>
      %and3A_182 = arith.andi %add3A_171, %and3A_181 : vector<16xi32>
      %add3A_183 = arith.addi %mul3A_179, %and3A_182 : vector<16xi32>
      %swap3A_184 = arith.index_cast %add3A_169 : i32 to index
      %swap3A_185 = tpu.vector_load %arg6[%swap3A_184] {strides = array<i32>} : memref<640xi32, #tpu.memory_space<vmem>>, vector<16xi32>,
      tpu.vector_store %arg6[%swap3A_184], %add3A_183 {strides = array<i32>} : memref<640xi32, #tpu.memory_space<vmem>>, vector<16xi32>,
    }
    %scan3A_63 = arith.constant 8 : i32
    %scan3A_64 = arith.constant 0 : i32
    %scan3A_65 = arith.constant 0 : i32
    %scan3A_66 = arith.constant 5 : i32
    %scan3A_67 = arith.addi %scan3A_65, %scan3A_66 : i32
    %scan3A_68 = arith.constant 1 : i32
    scf.for %scan3A_108 = %scan3A_65 to %scan3A_67 step %scan3A_68  : i32 {
      %rem3A_109 = arith.constant 2 : i32
      %rem3A_110 = arith.remsi %scan3A_108, %rem3A_109 : i32
      %add3A_111 = arith.constant 1 : i32
      %add3A_112 = arith.addi %scan3A_108, %add3A_111 : i32
      %rem3A_113 = arith.constant 2 : i32
      %rem3A_114 = arith.remsi %add3A_112, %rem3A_113 : i32
      %add3A_115 = arith.constant 1 : i32
      %add3A_116 = arith.addi %scan3A_108, %add3A_115 : i32
      %lt3A_117 = arith.constant 5 : i32
      %lt3A_118 = arith.cmpi slt, %add3A_116, %lt3A_117 : i32
      %convert_element_type3A_119 = arith.extui %lt3A_118 : i1 to i32
      %cond3A = arith.constant 0 : i32
      %cond3A_120 = arith.cmpi ne, %convert_element_type3A_119, %cond3A : i32
      scf.if %cond3A_120 {
        %add3A_178 = arith.constant 1 : i32
        %add3A_179 = arith.addi %scan3A_108, %add3A_178 : i32
        %mul3A_180 = arith.constant 16 : i32
        %mul3A_181 = arith.muli %add3A_179, %mul3A_180 : i32
        %sub3A_182 = arith.constant 16 : i32
        %sub3A_183 = arith.subi %add3A_7, %sub3A_182 : i32
        %min3A_184 = arith.minsi %mul3A_181, %sub3A_183 : i32
        %mul3A_185 = arith.constant 128 : i32
        %mul3A_186 = arith.muli %min3A_184, %mul3A_185 : i32
        %mul3A_187 = arith.constant 8 : i32
        %mul3A_188 = arith.muli %min3A_184, %mul3A_187 : i32
        %dma_start3A_189 = arith.constant 0 : i32
        %dma_start3A_190 = arith.constant 0 : i32
        %dma_start3A_191 = tpu.memref_slice %arg7[%rem3A_114, %dma_start3A_189, %dma_start3A_190] : memref<2x2048x8xf32, #tpu.memory_space<vmem>> -> memref<1x2048x8xf32, #tpu.memory_space<vmem>>
        %dma_start3A_192 = tpu.memref_squeeze %dma_start3A_191 : memref<1x2048x8xf32, #tpu.memory_space<vmem>> -> memref<2048x8xf32, #tpu.memory_space<vmem>>
        %dma_start3A_193 = tpu.memref_slice %arg5[%mul3A_186] : memref<10112xi32, #tpu.memory_space<vmem>> -> memref<2048xi32, #tpu.memory_space<vmem>>
        %dma_start3A_194 = arith.constant 0 : i32
        %dma_start3A_195 = arith.constant 0 : i32
        %dma_start3A_196 = tpu.memref_slice %arg2[%dma_start3A_194, %dma_start3A_195] : memref<5120000x8xf32, #tpu.memory_space<hbm>> -> memref<5120000x8xf32, #tpu.memory_space<hbm>>
        %dma_start3A_197 = tpu.memref_slice %arg10[%rem3A_114] : memref<2x!tpu.dma_semaphore, #tpu.memory_space<semaphore_mem>> -> memref<1x!tpu.dma_semaphore, #tpu.memory_space<semaphore_mem>>
        %dma_start3A_198 = tpu.memref_squeeze %dma_start3A_197 : memref<1x!tpu.dma_semaphore, #tpu.memory_space<semaphore_mem>> -> memref<!tpu.dma_semaphore, #tpu.memory_space<semaphore_mem>>
        tpu.enqueue_indirect_dma source(%dma_start3A_196 : memref<5120000x8xf32, #tpu.memory_space<hbm>>) target(%dma_start3A_192 : memref<2048x8xf32, #tpu.memory_space<vmem>>) offsets(%dma_start3A_193 : memref<2048xi32, #tpu.memory_space<vmem>>) semaphore(%dma_start3A_198 : memref<!tpu.dma_semaphore, #tpu.memory_space<semaphore_mem>>)
        %dma_start3A_199 = arith.constant 0 : i32
        %dma_start3A_200 = arith.constant 0 : i32
        %dma_start3A_201 = tpu.memref_slice %arg8[%rem3A_114, %dma_start3A_199, %dma_start3A_200] : memref<2x128x16xf32, #tpu.memory_space<vmem>> -> memref<1x128x16xf32, #tpu.memory_space<vmem>>
        %dma_start3A_202 = tpu.memref_squeeze %dma_start3A_201 : memref<1x128x16xf32, #tpu.memory_space<vmem>> -> memref<128x16xf32, #tpu.memory_space<vmem>>
        %dma_start3A_203 = tpu.memref_slice %arg6[%mul3A_188] : memref<640xi32, #tpu.memory_space<vmem>> -> memref<128xi32, #tpu.memory_space<vmem>>
        %dma_start3A_204 = arith.constant 0 : i32
        %dma_start3A_205 = arith.constant 0 : i32
        %dma_start3A_206 = tpu.memref_slice %arg3[%dma_start3A_204, %dma_start3A_205] : memref<320000x16xf32, #tpu.memory_space<hbm>> -> memref<320000x16xf32, #tpu.memory_space<hbm>>
        %dma_start3A_207 = tpu.memref_slice %arg10[%rem3A_114] : memref<2x!tpu.dma_semaphore, #tpu.memory_space<semaphore_mem>> -> memref<1x!tpu.dma_semaphore, #tpu.memory_space<semaphore_mem>>
        %dma_start3A_208 = tpu.memref_squeeze %dma_start3A_207 : memref<1x!tpu.dma_semaphore, #tpu.memory_space<semaphore_mem>> -> memref<!tpu.dma_semaphore, #tpu.memory_space<semaphore_mem>>
        tpu.enqueue_indirect_dma source(%dma_start3A_206 : memref<320000x16xf32, #tpu.memory_space<hbm>>) target(%dma_start3A_202 : memref<128x16xf32, #tpu.memory_space<vmem>>) offsets(%dma_start3A_203 : memref<128xi32, #tpu.memory_space<vmem>>) semaphore(%dma_start3A_208 : memref<!tpu.dma_semaphore, #tpu.memory_space<semaphore_mem>>)
      } else {
      }
      %mul3A_121 = arith.constant 16 : i32
      %mul3A_122 = arith.muli %scan3A_108, %mul3A_121 : i32
      %sub3A_123 = arith.constant 16 : i32
      %sub3A_124 = arith.subi %add3A_7, %sub3A_123 : i32
      %min3A_125 = arith.minsi %mul3A_122, %sub3A_124 : i32
      %mul3A_126 = arith.constant 128 : i32
      %mul3A_127 = arith.muli %min3A_125, %mul3A_126 : i32
      %mul3A_128 = arith.constant 8 : i32
      %mul3A_129 = arith.muli %min3A_125, %mul3A_128 : i32
      %dma_wait3A_130 = arith.constant 0 : i32
      %dma_wait3A_131 = arith.constant 0 : i32
      %dma_wait3A_132 = tpu.memref_slice %arg7[%rem3A_110, %dma_wait3A_130, %dma_wait3A_131] : memref<2x2048x8xf32, #tpu.memory_space<vmem>> -> memref<1x2048x8xf32, #tpu.memory_space<vmem>>
      %dma_wait3A_133 = tpu.memref_squeeze %dma_wait3A_132 : memref<1x2048x8xf32, #tpu.memory_space<vmem>> -> memref<2048x8xf32, #tpu.memory_space<vmem>>
      %dma_wait3A_134 = tpu.memref_slice %arg5[%mul3A_127] : memref<10112xi32, #tpu.memory_space<vmem>> -> memref<2048xi32, #tpu.memory_space<vmem>>
      %dma_wait3A_135 = arith.constant 0 : i32
      %dma_wait3A_136 = arith.constant 0 : i32
      %dma_wait3A_137 = tpu.memref_slice %arg2[%dma_wait3A_135, %dma_wait3A_136] : memref<5120000x8xf32, #tpu.memory_space<hbm>> -> memref<5120000x8xf32, #tpu.memory_space<hbm>>
      %dma_wait3A_138 = tpu.memref_slice %arg10[%rem3A_110] : memref<2x!tpu.dma_semaphore, #tpu.memory_space<semaphore_mem>> -> memref<1x!tpu.dma_semaphore, #tpu.memory_space<semaphore_mem>>
      %dma_wait3A_139 = tpu.memref_squeeze %dma_wait3A_138 : memref<1x!tpu.dma_semaphore, #tpu.memory_space<semaphore_mem>> -> memref<!tpu.dma_semaphore, #tpu.memory_space<semaphore_mem>>
      tpu.wait_indirect_dma semaphore(%dma_wait3A_139 : memref<!tpu.dma_semaphore, #tpu.memory_space<semaphore_mem>>) src(%dma_wait3A_137 : memref<5120000x8xf32, #tpu.memory_space<hbm>>) dst(%dma_wait3A_133 : memref<2048x8xf32, #tpu.memory_space<vmem>>)
      %dma_wait3A_140 = arith.constant 0 : i32
      %dma_wait3A_141 = arith.constant 0 : i32
      %dma_wait3A_142 = tpu.memref_slice %arg8[%rem3A_110, %dma_wait3A_140, %dma_wait3A_141] : memref<2x128x16xf32, #tpu.memory_space<vmem>> -> memref<1x128x16xf32, #tpu.memory_space<vmem>>
      %dma_wait3A_143 = tpu.memref_squeeze %dma_wait3A_142 : memref<1x128x16xf32, #tpu.memory_space<vmem>> -> memref<128x16xf32, #tpu.memory_space<vmem>>
      %dma_wait3A_144 = tpu.memref_slice %arg6[%mul3A_129] : memref<640xi32, #tpu.memory_space<vmem>> -> memref<128xi32, #tpu.memory_space<vmem>>
      %dma_wait3A_145 = arith.constant 0 : i32
      %dma_wait3A_146 = arith.constant 0 : i32
      %dma_wait3A_147 = tpu.memref_slice %arg3[%dma_wait3A_145, %dma_wait3A_146] : memref<320000x16xf32, #tpu.memory_space<hbm>> -> memref<320000x16xf32, #tpu.memory_space<hbm>>
      %dma_wait3A_148 = tpu.memref_slice %arg10[%rem3A_110] : memref<2x!tpu.dma_semaphore, #tpu.memory_space<semaphore_mem>> -> memref<1x!tpu.dma_semaphore, #tpu.memory_space<semaphore_mem>>
      %dma_wait3A_149 = tpu.memref_squeeze %dma_wait3A_148 : memref<1x!tpu.dma_semaphore, #tpu.memory_space<semaphore_mem>> -> memref<!tpu.dma_semaphore, #tpu.memory_space<semaphore_mem>>
      tpu.wait_indirect_dma semaphore(%dma_wait3A_149 : memref<!tpu.dma_semaphore, #tpu.memory_space<semaphore_mem>>) src(%dma_wait3A_147 : memref<320000x16xf32, #tpu.memory_space<hbm>>) dst(%dma_wait3A_143 : memref<128x16xf32, #tpu.memory_space<vmem>>)
      %ge3A = arith.constant 2 : i32
      %ge3A_150 = arith.cmpi sge, %scan3A_108, %ge3A : i32
      %convert_element_type3A_151 = arith.extui %ge3A_150 : i1 to i32
      %cond3A_152 = arith.constant 0 : i32
      %cond3A_153 = arith.cmpi ne, %convert_element_type3A_151, %cond3A_152 : i32
      scf.if %cond3A_153 {
        %sub3A_178 = arith.constant 2 : i32
        %sub3A_179 = arith.subi %scan3A_108, %sub3A_178 : i32
        %mul3A_180 = arith.constant 16 : i32
        %mul3A_181 = arith.muli %sub3A_179, %mul3A_180 : i32
        %sub3A_182 = arith.constant 16 : i32
        %sub3A_183 = arith.subi %add3A_7, %sub3A_182 : i32
        %min3A_184 = arith.minsi %mul3A_181, %sub3A_183 : i32
        %add3A_185 = arith.addi %add3A_4, %min3A_184 : i32
        %mul3A_186 = arith.constant 256 : i32
        %mul3A_187 = arith.muli %add3A_185, %mul3A_186 : i32
        %dma_wait3A_188 = arith.constant 0 : i32
        %dma_wait3A_189 = tpu.memref_slice %arg9[%rem3A_110, %dma_wait3A_188] : memref<2x4096xf32, #tpu.memory_space<vmem>> -> memref<1x4096xf32, #tpu.memory_space<vmem>>
        %dma_wait3A_190 = tpu.memref_squeeze %dma_wait3A_189 : memref<1x4096xf32, #tpu.memory_space<vmem>> -> memref<4096xf32, #tpu.memory_space<vmem>>
        %dma_wait3A_191 = tpu.memref_slice %arg4[%mul3A_187] : memref<640000xf32, #tpu.memory_space<hbm>> -> memref<4096xf32, #tpu.memory_space<hbm>>
        %dma_wait3A_192 = tpu.memref_slice %arg11[%rem3A_110] : memref<2x!tpu.dma_semaphore, #tpu.memory_space<semaphore_mem>> -> memref<1x!tpu.dma_semaphore, #tpu.memory_space<semaphore_mem>>
        %dma_wait3A_193 = tpu.memref_squeeze %dma_wait3A_192 : memref<1x!tpu.dma_semaphore, #tpu.memory_space<semaphore_mem>> -> memref<!tpu.dma_semaphore, #tpu.memory_space<semaphore_mem>>
        %dma_wait3A_194 = tpu.memref_slice %arg4[%mul3A_187] : memref<640000xf32, #tpu.memory_space<hbm>> -> memref<4096xf32, #tpu.memory_space<hbm>>
        %dma_wait3A_195 = arith.constant 0 : i32
        %dma_wait3A_196 = tpu.memref_slice %arg9[%rem3A_110, %dma_wait3A_195] : memref<2x4096xf32, #tpu.memory_space<vmem>> -> memref<1x4096xf32, #tpu.memory_space<vmem>>
        %dma_wait3A_197 = tpu.memref_squeeze %dma_wait3A_196 : memref<1x4096xf32, #tpu.memory_space<vmem>> -> memref<4096xf32, #tpu.memory_space<vmem>>
        tpu.wait_dma2 semaphore(%dma_wait3A_193 : memref<!tpu.dma_semaphore, #tpu.memory_space<semaphore_mem>>) src(%dma_wait3A_197 : memref<4096xf32, #tpu.memory_space<vmem>>) dst(%dma_wait3A_194 : memref<4096xf32, #tpu.memory_space<hbm>>)
      } else {
      }
      %scan3A_154 = arith.constant 0 : i32
      %scan3A_155 = arith.constant 0 : i32
      %scan3A_156 = arith.constant 16 : i32
      %scan3A_157 = arith.addi %scan3A_155, %scan3A_156 : i32
      %scan3A_158 = arith.constant 1 : i32
      scf.for %scan3A_178 = %scan3A_155 to %scan3A_157 step %scan3A_158  : i32 {
        %mul3A_179 = arith.constant 8 : i32
        %mul3A_180 = arith.muli %scan3A_178, %mul3A_179 : i32
        %add3A_181 = arith.constant 0 : i32
        %add3A_182 = arith.addi %mul3A_180, %add3A_181 : i32
        %get3A = arith.index_cast %rem3A_110 : i32 to index
        %get3A_183 = arith.index_cast %add3A_182 : i32 to index
        %get3A_184 = arith.constant 0 : index
        %get3A_185 = tpu.vector_load %arg8[%get3A, %get3A_183, %get3A_184] {strides = array<i32>} : memref<2x128x16xf32, #tpu.memory_space<vmem>>, vector<16xf32>,
        %mul3A_186 = arith.constant 128 : i32
        %mul3A_187 = arith.muli %scan3A_178, %mul3A_186 : i32
        %add3A_188 = arith.constant 0 : i32
        %add3A_189 = arith.addi %mul3A_187, %add3A_188 : i32
        %add3A_190 = vector.broadcast %add3A_189 : i32 to vector<16xi32>
        %add3A_191 = arith.addi %add3A_190, %iota3A : vector<16xi32>
        %gather3A = arith.constant 0 : i32
        %gather3A_192 = arith.constant 0 : i32
        %gather3A_193 = tpu.memref_slice %arg7[%rem3A_110, %gather3A, %gather3A_192] : memref<2x2048x8xf32, #tpu.memory_space<vmem>> -> memref<1x2048x8xf32, #tpu.memory_space<vmem>>
        %gather3A_194 = tpu.memref_squeeze %gather3A_193 : memref<1x2048x8xf32, #tpu.memory_space<vmem>> -> memref<2048x8xf32, #tpu.memory_space<vmem>>
        %gather3A_195 = tpu.vector_load_idx %gather3A_194[%add3A_191, %broadcast_in_dim3A_10] : memref<2048x8xf32, #tpu.memory_space<vmem>>[vector<16xi32>, vector<16xi32>], vector<16xf32>,
        %mul3A_196 = arith.constant 256 : i32
        %mul3A_197 = arith.muli %scan3A_178, %mul3A_196 : i32
        %add3A_198 = arith.constant 0 : i32
        %add3A_199 = arith.addi %mul3A_197, %add3A_198 : i32
        %swap3A = arith.constant 0 : i32
        %swap3A_200 = tpu.memref_slice %arg9[%rem3A_110, %swap3A] : memref<2x4096xf32, #tpu.memory_space<vmem>> -> memref<1x4096xf32, #tpu.memory_space<vmem>>
        %swap3A_201 = tpu.memref_squeeze %swap3A_200 : memref<1x4096xf32, #tpu.memory_space<vmem>> -> memref<4096xf32, #tpu.memory_space<vmem>>
        %swap3A_202 = arith.index_cast %add3A_199 : i32 to index
        %swap3A_203 = tpu.vector_load %swap3A_201[%swap3A_202] {strides = array<i32>} : memref<4096xf32, #tpu.memory_space<vmem>>, vector<16xf32>,
        tpu.vector_store %swap3A_201[%swap3A_202], %get3A_185 {strides = array<i32>} : memref<4096xf32, #tpu.memory_space<vmem>>, vector<16xf32>,
        %mul3A_204 = arith.mulf %get3A_185, %gather3A_195 : vector<16xf32>
        %mul3A_205 = arith.constant 256 : i32
        %mul3A_206 = arith.muli %scan3A_178, %mul3A_205 : i32
        %add3A_207 = arith.constant 128 : i32
        %add3A_208 = arith.addi %mul3A_206, %add3A_207 : i32
        %add3A_209 = arith.constant 0 : i32
        %add3A_210 = arith.addi %add3A_208, %add3A_209 : i32
        %swap3A_211 = arith.constant 0 : i32
        %swap3A_212 = tpu.memref_slice %arg9[%rem3A_110, %swap3A_211] : memref<2x4096xf32, #tpu.memory_space<vmem>> -> memref<1x4096xf32, #tpu.memory_space<vmem>>
        %swap3A_213 = tpu.memref_squeeze %swap3A_212 : memref<1x4096xf32, #tpu.memory_space<vmem>> -> memref<4096xf32, #tpu.memory_space<vmem>>
        %swap3A_214 = arith.index_cast %add3A_210 : i32 to index
        %swap3A_215 = tpu.vector_load %swap3A_213[%swap3A_214] {strides = array<i32>} : memref<4096xf32, #tpu.memory_space<vmem>>, vector<16xf32>,
        tpu.vector_store %swap3A_213[%swap3A_214], %mul3A_204 {strides = array<i32>} : memref<4096xf32, #tpu.memory_space<vmem>>, vector<16xf32>,
        %mul3A_216 = arith.constant 8 : i32
        %mul3A_217 = arith.muli %scan3A_178, %mul3A_216 : i32
        %add3A_218 = arith.constant 1 : i32
        %add3A_219 = arith.addi %mul3A_217, %add3A_218 : i32
        %get3A_220 = arith.index_cast %rem3A_110 : i32 to index
        %get3A_221 = arith.index_cast %add3A_219 : i32 to index
        %get3A_222 = arith.constant 0 : index
        %get3A_223 = tpu.vector_load %arg8[%get3A_220, %get3A_221, %get3A_222] {strides = array<i32>} : memref<2x128x16xf32, #tpu.memory_space<vmem>>, vector<16xf32>,
        %mul3A_224 = arith.constant 128 : i32
        %mul3A_225 = arith.muli %scan3A_178, %mul3A_224 : i32
        %add3A_226 = arith.constant 16 : i32
        %add3A_227 = arith.addi %mul3A_225, %add3A_226 : i32
        %add3A_228 = vector.broadcast %add3A_227 : i32 to vector<16xi32>
        %add3A_229 = arith.addi %add3A_228, %iota3A : vector<16xi32>
        %gather3A_230 = arith.constant 0 : i32
        %gather3A_231 = arith.constant 0 : i32
        %gather3A_232 = tpu.memref_slice %arg7[%rem3A_110, %gather3A_230, %gather3A_231] : memref<2x2048x8xf32, #tpu.memory_space<vmem>> -> memref<1x2048x8xf32, #tpu.memory_space<vmem>>
        %gather3A_233 = tpu.memref_squeeze %gather3A_232 : memref<1x2048x8xf32, #tpu.memory_space<vmem>> -> memref<2048x8xf32, #tpu.memory_space<vmem>>
        %gather3A_234 = tpu.vector_load_idx %gather3A_233[%add3A_229, %broadcast_in_dim3A_10] : memref<2048x8xf32, #tpu.memory_space<vmem>>[vector<16xi32>, vector<16xi32>], vector<16xf32>,
        %mul3A_235 = arith.constant 256 : i32
        %mul3A_236 = arith.muli %scan3A_178, %mul3A_235 : i32
        %add3A_237 = arith.constant 16 : i32
        %add3A_238 = arith.addi %mul3A_236, %add3A_237 : i32
        %swap3A_239 = arith.constant 0 : i32
        %swap3A_240 = tpu.memref_slice %arg9[%rem3A_110, %swap3A_239] : memref<2x4096xf32, #tpu.memory_space<vmem>> -> memref<1x4096xf32, #tpu.memory_space<vmem>>
        %swap3A_241 = tpu.memref_squeeze %swap3A_240 : memref<1x4096xf32, #tpu.memory_space<vmem>> -> memref<4096xf32, #tpu.memory_space<vmem>>
        %swap3A_242 = arith.index_cast %add3A_238 : i32 to index
        %swap3A_243 = tpu.vector_load %swap3A_241[%swap3A_242] {strides = array<i32>} : memref<4096xf32, #tpu.memory_space<vmem>>, vector<16xf32>,
        tpu.vector_store %swap3A_241[%swap3A_242], %get3A_223 {strides = array<i32>} : memref<4096xf32, #tpu.memory_space<vmem>>, vector<16xf32>,
        %mul3A_244 = arith.mulf %get3A_223, %gather3A_234 : vector<16xf32>
        %mul3A_245 = arith.constant 256 : i32
        %mul3A_246 = arith.muli %scan3A_178, %mul3A_245 : i32
        %add3A_247 = arith.constant 128 : i32
        %add3A_248 = arith.addi %mul3A_246, %add3A_247 : i32
        %add3A_249 = arith.constant 16 : i32
        %add3A_250 = arith.addi %add3A_248, %add3A_249 : i32
        %swap3A_251 = arith.constant 0 : i32
        %swap3A_252 = tpu.memref_slice %arg9[%rem3A_110, %swap3A_251] : memref<2x4096xf32, #tpu.memory_space<vmem>> -> memref<1x4096xf32, #tpu.memory_space<vmem>>
        %swap3A_253 = tpu.memref_squeeze %swap3A_252 : memref<1x4096xf32, #tpu.memory_space<vmem>> -> memref<4096xf32, #tpu.memory_space<vmem>>
        %swap3A_254 = arith.index_cast %add3A_250 : i32 to index
        %swap3A_255 = tpu.vector_load %swap3A_253[%swap3A_254] {strides = array<i32>} : memref<4096xf32, #tpu.memory_space<vmem>>, vector<16xf32>,
        tpu.vector_store %swap3A_253[%swap3A_254], %mul3A_244 {strides = array<i32>} : memref<4096xf32, #tpu.memory_space<vmem>>, vector<16xf32>,
        %mul3A_256 = arith.constant 8 : i32
        %mul3A_257 = arith.muli %scan3A_178, %mul3A_256 : i32
        %add3A_258 = arith.constant 2 : i32
        %add3A_259 = arith.addi %mul3A_257, %add3A_258 : i32
        %get3A_260 = arith.index_cast %rem3A_110 : i32 to index
        %get3A_261 = arith.index_cast %add3A_259 : i32 to index
        %get3A_262 = arith.constant 0 : index
        %get3A_263 = tpu.vector_load %arg8[%get3A_260, %get3A_261, %get3A_262] {strides = array<i32>} : memref<2x128x16xf32, #tpu.memory_space<vmem>>, vector<16xf32>,
        %mul3A_264 = arith.constant 128 : i32
        %mul3A_265 = arith.muli %scan3A_178, %mul3A_264 : i32
        %add3A_266 = arith.constant 32 : i32
        %add3A_267 = arith.addi %mul3A_265, %add3A_266 : i32
        %add3A_268 = vector.broadcast %add3A_267 : i32 to vector<16xi32>
        %add3A_269 = arith.addi %add3A_268, %iota3A : vector<16xi32>
        %gather3A_270 = arith.constant 0 : i32
        %gather3A_271 = arith.constant 0 : i32
        %gather3A_272 = tpu.memref_slice %arg7[%rem3A_110, %gather3A_270, %gather3A_271] : memref<2x2048x8xf32, #tpu.memory_space<vmem>> -> memref<1x2048x8xf32, #tpu.memory_space<vmem>>
        %gather3A_273 = tpu.memref_squeeze %gather3A_272 : memref<1x2048x8xf32, #tpu.memory_space<vmem>> -> memref<2048x8xf32, #tpu.memory_space<vmem>>
        %gather3A_274 = tpu.vector_load_idx %gather3A_273[%add3A_269, %broadcast_in_dim3A_10] : memref<2048x8xf32, #tpu.memory_space<vmem>>[vector<16xi32>, vector<16xi32>], vector<16xf32>,
        %mul3A_275 = arith.constant 256 : i32
        %mul3A_276 = arith.muli %scan3A_178, %mul3A_275 : i32
        %add3A_277 = arith.constant 32 : i32
        %add3A_278 = arith.addi %mul3A_276, %add3A_277 : i32
        %swap3A_279 = arith.constant 0 : i32
        %swap3A_280 = tpu.memref_slice %arg9[%rem3A_110, %swap3A_279] : memref<2x4096xf32, #tpu.memory_space<vmem>> -> memref<1x4096xf32, #tpu.memory_space<vmem>>
        %swap3A_281 = tpu.memref_squeeze %swap3A_280 : memref<1x4096xf32, #tpu.memory_space<vmem>> -> memref<4096xf32, #tpu.memory_space<vmem>>
        %swap3A_282 = arith.index_cast %add3A_278 : i32 to index
        %swap3A_283 = tpu.vector_load %swap3A_281[%swap3A_282] {strides = array<i32>} : memref<4096xf32, #tpu.memory_space<vmem>>, vector<16xf32>,
        tpu.vector_store %swap3A_281[%swap3A_282], %get3A_263 {strides = array<i32>} : memref<4096xf32, #tpu.memory_space<vmem>>, vector<16xf32>,
        %mul3A_284 = arith.mulf %get3A_263, %gather3A_274 : vector<16xf32>
        %mul3A_285 = arith.constant 256 : i32
        %mul3A_286 = arith.muli %scan3A_178, %mul3A_285 : i32
        %add3A_287 = arith.constant 128 : i32
        %add3A_288 = arith.addi %mul3A_286, %add3A_287 : i32
        %add3A_289 = arith.constant 32 : i32
        %add3A_290 = arith.addi %add3A_288, %add3A_289 : i32
        %swap3A_291 = arith.constant 0 : i32
        %swap3A_292 = tpu.memref_slice %arg9[%rem3A_110, %swap3A_291] : memref<2x4096xf32, #tpu.memory_space<vmem>> -> memref<1x4096xf32, #tpu.memory_space<vmem>>
        %swap3A_293 = tpu.memref_squeeze %swap3A_292 : memref<1x4096xf32, #tpu.memory_space<vmem>> -> memref<4096xf32, #tpu.memory_space<vmem>>
        %swap3A_294 = arith.index_cast %add3A_290 : i32 to index
        %swap3A_295 = tpu.vector_load %swap3A_293[%swap3A_294] {strides = array<i32>} : memref<4096xf32, #tpu.memory_space<vmem>>, vector<16xf32>,
        tpu.vector_store %swap3A_293[%swap3A_294], %mul3A_284 {strides = array<i32>} : memref<4096xf32, #tpu.memory_space<vmem>>, vector<16xf32>,
        %mul3A_296 = arith.constant 8 : i32
        %mul3A_297 = arith.muli %scan3A_178, %mul3A_296 : i32
        %add3A_298 = arith.constant 3 : i32
        %add3A_299 = arith.addi %mul3A_297, %add3A_298 : i32
        %get3A_300 = arith.index_cast %rem3A_110 : i32 to index
        %get3A_301 = arith.index_cast %add3A_299 : i32 to index
        %get3A_302 = arith.constant 0 : index
        %get3A_303 = tpu.vector_load %arg8[%get3A_300, %get3A_301, %get3A_302] {strides = array<i32>} : memref<2x128x16xf32, #tpu.memory_space<vmem>>, vector<16xf32>,
        %mul3A_304 = arith.constant 128 : i32
        %mul3A_305 = arith.muli %scan3A_178, %mul3A_304 : i32
        %add3A_306 = arith.constant 48 : i32
        %add3A_307 = arith.addi %mul3A_305, %add3A_306 : i32
        %add3A_308 = vector.broadcast %add3A_307 : i32 to vector<16xi32>
        %add3A_309 = arith.addi %add3A_308, %iota3A : vector<16xi32>
        %gather3A_310 = arith.constant 0 : i32
        %gather3A_311 = arith.constant 0 : i32
        %gather3A_312 = tpu.memref_slice %arg7[%rem3A_110, %gather3A_310, %gather3A_311] : memref<2x2048x8xf32, #tpu.memory_space<vmem>> -> memref<1x2048x8xf32, #tpu.memory_space<vmem>>
        %gather3A_313 = tpu.memref_squeeze %gather3A_312 : memref<1x2048x8xf32, #tpu.memory_space<vmem>> -> memref<2048x8xf32, #tpu.memory_space<vmem>>
        %gather3A_314 = tpu.vector_load_idx %gather3A_313[%add3A_309, %broadcast_in_dim3A_10] : memref<2048x8xf32, #tpu.memory_space<vmem>>[vector<16xi32>, vector<16xi32>], vector<16xf32>,
        %mul3A_315 = arith.constant 256 : i32
        %mul3A_316 = arith.muli %scan3A_178, %mul3A_315 : i32
        %add3A_317 = arith.constant 48 : i32
        %add3A_318 = arith.addi %mul3A_316, %add3A_317 : i32
        %swap3A_319 = arith.constant 0 : i32
        %swap3A_320 = tpu.memref_slice %arg9[%rem3A_110, %swap3A_319] : memref<2x4096xf32, #tpu.memory_space<vmem>> -> memref<1x4096xf32, #tpu.memory_space<vmem>>
        %swap3A_321 = tpu.memref_squeeze %swap3A_320 : memref<1x4096xf32, #tpu.memory_space<vmem>> -> memref<4096xf32, #tpu.memory_space<vmem>>
        %swap3A_322 = arith.index_cast %add3A_318 : i32 to index
        %swap3A_323 = tpu.vector_load %swap3A_321[%swap3A_322] {strides = array<i32>} : memref<4096xf32, #tpu.memory_space<vmem>>, vector<16xf32>,
        tpu.vector_store %swap3A_321[%swap3A_322], %get3A_303 {strides = array<i32>} : memref<4096xf32, #tpu.memory_space<vmem>>, vector<16xf32>,
        %mul3A_324 = arith.mulf %get3A_303, %gather3A_314 : vector<16xf32>
        %mul3A_325 = arith.constant 256 : i32
        %mul3A_326 = arith.muli %scan3A_178, %mul3A_325 : i32
        %add3A_327 = arith.constant 128 : i32
        %add3A_328 = arith.addi %mul3A_326, %add3A_327 : i32
        %add3A_329 = arith.constant 48 : i32
        %add3A_330 = arith.addi %add3A_328, %add3A_329 : i32
        %swap3A_331 = arith.constant 0 : i32
        %swap3A_332 = tpu.memref_slice %arg9[%rem3A_110, %swap3A_331] : memref<2x4096xf32, #tpu.memory_space<vmem>> -> memref<1x4096xf32, #tpu.memory_space<vmem>>
        %swap3A_333 = tpu.memref_squeeze %swap3A_332 : memref<1x4096xf32, #tpu.memory_space<vmem>> -> memref<4096xf32, #tpu.memory_space<vmem>>
        %swap3A_334 = arith.index_cast %add3A_330 : i32 to index
        %swap3A_335 = tpu.vector_load %swap3A_333[%swap3A_334] {strides = array<i32>} : memref<4096xf32, #tpu.memory_space<vmem>>, vector<16xf32>,
        tpu.vector_store %swap3A_333[%swap3A_334], %mul3A_324 {strides = array<i32>} : memref<4096xf32, #tpu.memory_space<vmem>>, vector<16xf32>,
        %mul3A_336 = arith.constant 8 : i32
        %mul3A_337 = arith.muli %scan3A_178, %mul3A_336 : i32
        %add3A_338 = arith.constant 4 : i32
        %add3A_339 = arith.addi %mul3A_337, %add3A_338 : i32
        %get3A_340 = arith.index_cast %rem3A_110 : i32 to index
        %get3A_341 = arith.index_cast %add3A_339 : i32 to index
        %get3A_342 = arith.constant 0 : index
        %get3A_343 = tpu.vector_load %arg8[%get3A_340, %get3A_341, %get3A_342] {strides = array<i32>} : memref<2x128x16xf32, #tpu.memory_space<vmem>>, vector<16xf32>,
        %mul3A_344 = arith.constant 128 : i32
        %mul3A_345 = arith.muli %scan3A_178, %mul3A_344 : i32
        %add3A_346 = arith.constant 64 : i32
        %add3A_347 = arith.addi %mul3A_345, %add3A_346 : i32
        %add3A_348 = vector.broadcast %add3A_347 : i32 to vector<16xi32>
        %add3A_349 = arith.addi %add3A_348, %iota3A : vector<16xi32>
        %gather3A_350 = arith.constant 0 : i32
        %gather3A_351 = arith.constant 0 : i32
        %gather3A_352 = tpu.memref_slice %arg7[%rem3A_110, %gather3A_350, %gather3A_351] : memref<2x2048x8xf32, #tpu.memory_space<vmem>> -> memref<1x2048x8xf32, #tpu.memory_space<vmem>>
        %gather3A_353 = tpu.memref_squeeze %gather3A_352 : memref<1x2048x8xf32, #tpu.memory_space<vmem>> -> memref<2048x8xf32, #tpu.memory_space<vmem>>
        %gather3A_354 = tpu.vector_load_idx %gather3A_353[%add3A_349, %broadcast_in_dim3A_10] : memref<2048x8xf32, #tpu.memory_space<vmem>>[vector<16xi32>, vector<16xi32>], vector<16xf32>,
        %mul3A_355 = arith.constant 256 : i32
        %mul3A_356 = arith.muli %scan3A_178, %mul3A_355 : i32
        %add3A_357 = arith.constant 64 : i32
        %add3A_358 = arith.addi %mul3A_356, %add3A_357 : i32
        %swap3A_359 = arith.constant 0 : i32
        %swap3A_360 = tpu.memref_slice %arg9[%rem3A_110, %swap3A_359] : memref<2x4096xf32, #tpu.memory_space<vmem>> -> memref<1x4096xf32, #tpu.memory_space<vmem>>
        %swap3A_361 = tpu.memref_squeeze %swap3A_360 : memref<1x4096xf32, #tpu.memory_space<vmem>> -> memref<4096xf32, #tpu.memory_space<vmem>>
        %swap3A_362 = arith.index_cast %add3A_358 : i32 to index
        %swap3A_363 = tpu.vector_load %swap3A_361[%swap3A_362] {strides = array<i32>} : memref<4096xf32, #tpu.memory_space<vmem>>, vector<16xf32>,
        tpu.vector_store %swap3A_361[%swap3A_362], %get3A_343 {strides = array<i32>} : memref<4096xf32, #tpu.memory_space<vmem>>, vector<16xf32>,
        %mul3A_364 = arith.mulf %get3A_343, %gather3A_354 : vector<16xf32>
        %mul3A_365 = arith.constant 256 : i32
        %mul3A_366 = arith.muli %scan3A_178, %mul3A_365 : i32
        %add3A_367 = arith.constant 128 : i32
        %add3A_368 = arith.addi %mul3A_366, %add3A_367 : i32
        %add3A_369 = arith.constant 64 : i32
        %add3A_370 = arith.addi %add3A_368, %add3A_369 : i32
        %swap3A_371 = arith.constant 0 : i32
        %swap3A_372 = tpu.memref_slice %arg9[%rem3A_110, %swap3A_371] : memref<2x4096xf32, #tpu.memory_space<vmem>> -> memref<1x4096xf32, #tpu.memory_space<vmem>>
        %swap3A_373 = tpu.memref_squeeze %swap3A_372 : memref<1x4096xf32, #tpu.memory_space<vmem>> -> memref<4096xf32, #tpu.memory_space<vmem>>
        %swap3A_374 = arith.index_cast %add3A_370 : i32 to index
        %swap3A_375 = tpu.vector_load %swap3A_373[%swap3A_374] {strides = array<i32>} : memref<4096xf32, #tpu.memory_space<vmem>>, vector<16xf32>,
        tpu.vector_store %swap3A_373[%swap3A_374], %mul3A_364 {strides = array<i32>} : memref<4096xf32, #tpu.memory_space<vmem>>, vector<16xf32>,
        %mul3A_376 = arith.constant 8 : i32
        %mul3A_377 = arith.muli %scan3A_178, %mul3A_376 : i32
        %add3A_378 = arith.constant 5 : i32
        %add3A_379 = arith.addi %mul3A_377, %add3A_378 : i32
        %get3A_380 = arith.index_cast %rem3A_110 : i32 to index
        %get3A_381 = arith.index_cast %add3A_379 : i32 to index
        %get3A_382 = arith.constant 0 : index
        %get3A_383 = tpu.vector_load %arg8[%get3A_380, %get3A_381, %get3A_382] {strides = array<i32>} : memref<2x128x16xf32, #tpu.memory_space<vmem>>, vector<16xf32>,
        %mul3A_384 = arith.constant 128 : i32
        %mul3A_385 = arith.muli %scan3A_178, %mul3A_384 : i32
        %add3A_386 = arith.constant 80 : i32
        %add3A_387 = arith.addi %mul3A_385, %add3A_386 : i32
        %add3A_388 = vector.broadcast %add3A_387 : i32 to vector<16xi32>
        %add3A_389 = arith.addi %add3A_388, %iota3A : vector<16xi32>
        %gather3A_390 = arith.constant 0 : i32
        %gather3A_391 = arith.constant 0 : i32
        %gather3A_392 = tpu.memref_slice %arg7[%rem3A_110, %gather3A_390, %gather3A_391] : memref<2x2048x8xf32, #tpu.memory_space<vmem>> -> memref<1x2048x8xf32, #tpu.memory_space<vmem>>
        %gather3A_393 = tpu.memref_squeeze %gather3A_392 : memref<1x2048x8xf32, #tpu.memory_space<vmem>> -> memref<2048x8xf32, #tpu.memory_space<vmem>>
        %gather3A_394 = tpu.vector_load_idx %gather3A_393[%add3A_389, %broadcast_in_dim3A_10] : memref<2048x8xf32, #tpu.memory_space<vmem>>[vector<16xi32>, vector<16xi32>], vector<16xf32>,
        %mul3A_395 = arith.constant 256 : i32
        %mul3A_396 = arith.muli %scan3A_178, %mul3A_395 : i32
        %add3A_397 = arith.constant 80 : i32
        %add3A_398 = arith.addi %mul3A_396, %add3A_397 : i32
        %swap3A_399 = arith.constant 0 : i32
        %swap3A_400 = tpu.memref_slice %arg9[%rem3A_110, %swap3A_399] : memref<2x4096xf32, #tpu.memory_space<vmem>> -> memref<1x4096xf32, #tpu.memory_space<vmem>>
        %swap3A_401 = tpu.memref_squeeze %swap3A_400 : memref<1x4096xf32, #tpu.memory_space<vmem>> -> memref<4096xf32, #tpu.memory_space<vmem>>
        %swap3A_402 = arith.index_cast %add3A_398 : i32 to index
        %swap3A_403 = tpu.vector_load %swap3A_401[%swap3A_402] {strides = array<i32>} : memref<4096xf32, #tpu.memory_space<vmem>>, vector<16xf32>,
        tpu.vector_store %swap3A_401[%swap3A_402], %get3A_383 {strides = array<i32>} : memref<4096xf32, #tpu.memory_space<vmem>>, vector<16xf32>,
        %mul3A_404 = arith.mulf %get3A_383, %gather3A_394 : vector<16xf32>
        %mul3A_405 = arith.constant 256 : i32
        %mul3A_406 = arith.muli %scan3A_178, %mul3A_405 : i32
        %add3A_407 = arith.constant 128 : i32
        %add3A_408 = arith.addi %mul3A_406, %add3A_407 : i32
        %add3A_409 = arith.constant 80 : i32
        %add3A_410 = arith.addi %add3A_408, %add3A_409 : i32
        %swap3A_411 = arith.constant 0 : i32
        %swap3A_412 = tpu.memref_slice %arg9[%rem3A_110, %swap3A_411] : memref<2x4096xf32, #tpu.memory_space<vmem>> -> memref<1x4096xf32, #tpu.memory_space<vmem>>
        %swap3A_413 = tpu.memref_squeeze %swap3A_412 : memref<1x4096xf32, #tpu.memory_space<vmem>> -> memref<4096xf32, #tpu.memory_space<vmem>>
        %swap3A_414 = arith.index_cast %add3A_410 : i32 to index
        %swap3A_415 = tpu.vector_load %swap3A_413[%swap3A_414] {strides = array<i32>} : memref<4096xf32, #tpu.memory_space<vmem>>, vector<16xf32>,
        tpu.vector_store %swap3A_413[%swap3A_414], %mul3A_404 {strides = array<i32>} : memref<4096xf32, #tpu.memory_space<vmem>>, vector<16xf32>,
        %mul3A_416 = arith.constant 8 : i32
        %mul3A_417 = arith.muli %scan3A_178, %mul3A_416 : i32
        %add3A_418 = arith.constant 6 : i32
        %add3A_419 = arith.addi %mul3A_417, %add3A_418 : i32
        %get3A_420 = arith.index_cast %rem3A_110 : i32 to index
        %get3A_421 = arith.index_cast %add3A_419 : i32 to index
        %get3A_422 = arith.constant 0 : index
        %get3A_423 = tpu.vector_load %arg8[%get3A_420, %get3A_421, %get3A_422] {strides = array<i32>} : memref<2x128x16xf32, #tpu.memory_space<vmem>>, vector<16xf32>,
        %mul3A_424 = arith.constant 128 : i32
        %mul3A_425 = arith.muli %scan3A_178, %mul3A_424 : i32
        %add3A_426 = arith.constant 96 : i32
        %add3A_427 = arith.addi %mul3A_425, %add3A_426 : i32
        %add3A_428 = vector.broadcast %add3A_427 : i32 to vector<16xi32>
        %add3A_429 = arith.addi %add3A_428, %iota3A : vector<16xi32>
        %gather3A_430 = arith.constant 0 : i32
        %gather3A_431 = arith.constant 0 : i32
        %gather3A_432 = tpu.memref_slice %arg7[%rem3A_110, %gather3A_430, %gather3A_431] : memref<2x2048x8xf32, #tpu.memory_space<vmem>> -> memref<1x2048x8xf32, #tpu.memory_space<vmem>>
        %gather3A_433 = tpu.memref_squeeze %gather3A_432 : memref<1x2048x8xf32, #tpu.memory_space<vmem>> -> memref<2048x8xf32, #tpu.memory_space<vmem>>
        %gather3A_434 = tpu.vector_load_idx %gather3A_433[%add3A_429, %broadcast_in_dim3A_10] : memref<2048x8xf32, #tpu.memory_space<vmem>>[vector<16xi32>, vector<16xi32>], vector<16xf32>,
        %mul3A_435 = arith.constant 256 : i32
        %mul3A_436 = arith.muli %scan3A_178, %mul3A_435 : i32
        %add3A_437 = arith.constant 96 : i32
        %add3A_438 = arith.addi %mul3A_436, %add3A_437 : i32
        %swap3A_439 = arith.constant 0 : i32
        %swap3A_440 = tpu.memref_slice %arg9[%rem3A_110, %swap3A_439] : memref<2x4096xf32, #tpu.memory_space<vmem>> -> memref<1x4096xf32, #tpu.memory_space<vmem>>
        %swap3A_441 = tpu.memref_squeeze %swap3A_440 : memref<1x4096xf32, #tpu.memory_space<vmem>> -> memref<4096xf32, #tpu.memory_space<vmem>>
        %swap3A_442 = arith.index_cast %add3A_438 : i32 to index
        %swap3A_443 = tpu.vector_load %swap3A_441[%swap3A_442] {strides = array<i32>} : memref<4096xf32, #tpu.memory_space<vmem>>, vector<16xf32>,
        tpu.vector_store %swap3A_441[%swap3A_442], %get3A_423 {strides = array<i32>} : memref<4096xf32, #tpu.memory_space<vmem>>, vector<16xf32>,
        %mul3A_444 = arith.mulf %get3A_423, %gather3A_434 : vector<16xf32>
        %mul3A_445 = arith.constant 256 : i32
        %mul3A_446 = arith.muli %scan3A_178, %mul3A_445 : i32
        %add3A_447 = arith.constant 128 : i32
        %add3A_448 = arith.addi %mul3A_446, %add3A_447 : i32
        %add3A_449 = arith.constant 96 : i32
        %add3A_450 = arith.addi %add3A_448, %add3A_449 : i32
        %swap3A_451 = arith.constant 0 : i32
        %swap3A_452 = tpu.memref_slice %arg9[%rem3A_110, %swap3A_451] : memref<2x4096xf32, #tpu.memory_space<vmem>> -> memref<1x4096xf32, #tpu.memory_space<vmem>>
        %swap3A_453 = tpu.memref_squeeze %swap3A_452 : memref<1x4096xf32, #tpu.memory_space<vmem>> -> memref<4096xf32, #tpu.memory_space<vmem>>
        %swap3A_454 = arith.index_cast %add3A_450 : i32 to index
        %swap3A_455 = tpu.vector_load %swap3A_453[%swap3A_454] {strides = array<i32>} : memref<4096xf32, #tpu.memory_space<vmem>>, vector<16xf32>,
        tpu.vector_store %swap3A_453[%swap3A_454], %mul3A_444 {strides = array<i32>} : memref<4096xf32, #tpu.memory_space<vmem>>, vector<16xf32>,
        %mul3A_456 = arith.constant 8 : i32
        %mul3A_457 = arith.muli %scan3A_178, %mul3A_456 : i32
        %add3A_458 = arith.constant 7 : i32
        %add3A_459 = arith.addi %mul3A_457, %add3A_458 : i32
        %get3A_460 = arith.index_cast %rem3A_110 : i32 to index
        %get3A_461 = arith.index_cast %add3A_459 : i32 to index
        %get3A_462 = arith.constant 0 : index
        %get3A_463 = tpu.vector_load %arg8[%get3A_460, %get3A_461, %get3A_462] {strides = array<i32>} : memref<2x128x16xf32, #tpu.memory_space<vmem>>, vector<16xf32>,
        %mul3A_464 = arith.constant 128 : i32
        %mul3A_465 = arith.muli %scan3A_178, %mul3A_464 : i32
        %add3A_466 = arith.constant 112 : i32
        %add3A_467 = arith.addi %mul3A_465, %add3A_466 : i32
        %add3A_468 = vector.broadcast %add3A_467 : i32 to vector<16xi32>
        %add3A_469 = arith.addi %add3A_468, %iota3A : vector<16xi32>
        %gather3A_470 = arith.constant 0 : i32
        %gather3A_471 = arith.constant 0 : i32
        %gather3A_472 = tpu.memref_slice %arg7[%rem3A_110, %gather3A_470, %gather3A_471] : memref<2x2048x8xf32, #tpu.memory_space<vmem>> -> memref<1x2048x8xf32, #tpu.memory_space<vmem>>
        %gather3A_473 = tpu.memref_squeeze %gather3A_472 : memref<1x2048x8xf32, #tpu.memory_space<vmem>> -> memref<2048x8xf32, #tpu.memory_space<vmem>>
        %gather3A_474 = tpu.vector_load_idx %gather3A_473[%add3A_469, %broadcast_in_dim3A_10] : memref<2048x8xf32, #tpu.memory_space<vmem>>[vector<16xi32>, vector<16xi32>], vector<16xf32>,
        %mul3A_475 = arith.constant 256 : i32
        %mul3A_476 = arith.muli %scan3A_178, %mul3A_475 : i32
        %add3A_477 = arith.constant 112 : i32
        %add3A_478 = arith.addi %mul3A_476, %add3A_477 : i32
        %swap3A_479 = arith.constant 0 : i32
        %swap3A_480 = tpu.memref_slice %arg9[%rem3A_110, %swap3A_479] : memref<2x4096xf32, #tpu.memory_space<vmem>> -> memref<1x4096xf32, #tpu.memory_space<vmem>>
        %swap3A_481 = tpu.memref_squeeze %swap3A_480 : memref<1x4096xf32, #tpu.memory_space<vmem>> -> memref<4096xf32, #tpu.memory_space<vmem>>
        %swap3A_482 = arith.index_cast %add3A_478 : i32 to index
        %swap3A_483 = tpu.vector_load %swap3A_481[%swap3A_482] {strides = array<i32>} : memref<4096xf32, #tpu.memory_space<vmem>>, vector<16xf32>,
        tpu.vector_store %swap3A_481[%swap3A_482], %get3A_463 {strides = array<i32>} : memref<4096xf32, #tpu.memory_space<vmem>>, vector<16xf32>,
        %mul3A_484 = arith.mulf %get3A_463, %gather3A_474 : vector<16xf32>
        %mul3A_485 = arith.constant 256 : i32
        %mul3A_486 = arith.muli %scan3A_178, %mul3A_485 : i32
        %add3A_487 = arith.constant 128 : i32
        %add3A_488 = arith.addi %mul3A_486, %add3A_487 : i32
        %add3A_489 = arith.constant 112 : i32
        %add3A_490 = arith.addi %add3A_488, %add3A_489 : i32
        %swap3A_491 = arith.constant 0 : i32
        %swap3A_492 = tpu.memref_slice %arg9[%rem3A_110, %swap3A_491] : memref<2x4096xf32, #tpu.memory_space<vmem>> -> memref<1x4096xf32, #tpu.memory_space<vmem>>
        %swap3A_493 = tpu.memref_squeeze %swap3A_492 : memref<1x4096xf32, #tpu.memory_space<vmem>> -> memref<4096xf32, #tpu.memory_space<vmem>>
        %swap3A_494 = arith.index_cast %add3A_490 : i32 to index
        %swap3A_495 = tpu.vector_load %swap3A_493[%swap3A_494] {strides = array<i32>} : memref<4096xf32, #tpu.memory_space<vmem>>, vector<16xf32>,
        tpu.vector_store %swap3A_493[%swap3A_494], %mul3A_484 {strides = array<i32>} : memref<4096xf32, #tpu.memory_space<vmem>>, vector<16xf32>,
      }
      %scan3A_159 = arith.constant 16 : i32
      %mul3A_160 = arith.constant 16 : i32
      %mul3A_161 = arith.muli %scan3A_108, %mul3A_160 : i32
      %sub3A_162 = arith.constant 16 : i32
      %sub3A_163 = arith.subi %add3A_7, %sub3A_162 : i32
      %min3A_164 = arith.minsi %mul3A_161, %sub3A_163 : i32
      %add3A_165 = arith.addi %add3A_4, %min3A_164 : i32
      %mul3A_166 = arith.constant 256 : i32
      %mul3A_167 = arith.muli %add3A_165, %mul3A_166 : i32
      %dma_start3A_168 = arith.constant 0 : i32
      %dma_start3A_169 = tpu.memref_slice %arg9[%rem3A_110, %dma_start3A_168] : memref<2x4096xf32, #tpu.memory_space<vmem>> -> memref<1x4096xf32, #tpu.memory_space<vmem>>
      %dma_start3A_170 = tpu.memref_squeeze %dma_start3A_169 : memref<1x4096xf32, #tpu.memory_space<vmem>> -> memref<4096xf32, #tpu.memory_space<vmem>>
      %dma_start3A_171 = tpu.memref_slice %arg4[%mul3A_167] : memref<640000xf32, #tpu.memory_space<hbm>> -> memref<4096xf32, #tpu.memory_space<hbm>>
      %dma_start3A_172 = tpu.memref_slice %arg11[%rem3A_110] : memref<2x!tpu.dma_semaphore, #tpu.memory_space<semaphore_mem>> -> memref<1x!tpu.dma_semaphore, #tpu.memory_space<semaphore_mem>>
      %dma_start3A_173 = tpu.memref_squeeze %dma_start3A_172 : memref<1x!tpu.dma_semaphore, #tpu.memory_space<semaphore_mem>> -> memref<!tpu.dma_semaphore, #tpu.memory_space<semaphore_mem>>
      %dma_start3A_174 = tpu.memref_slice %arg4[%mul3A_167] : memref<640000xf32, #tpu.memory_space<hbm>> -> memref<4096xf32, #tpu.memory_space<hbm>>
      %dma_start3A_175 = arith.constant 0 : i32
      %dma_start3A_176 = tpu.memref_slice %arg9[%rem3A_110, %dma_start3A_175] : memref<2x4096xf32, #tpu.memory_space<vmem>> -> memref<1x4096xf32, #tpu.memory_space<vmem>>
      %dma_start3A_177 = tpu.memref_squeeze %dma_start3A_176 : memref<1x4096xf32, #tpu.memory_space<vmem>> -> memref<4096xf32, #tpu.memory_space<vmem>>
      tpu.enqueue_dma source(%dma_start3A_177 : memref<4096xf32, #tpu.memory_space<vmem>>) target(%dma_start3A_174 : memref<4096xf32, #tpu.memory_space<hbm>>) target_semaphore(%dma_start3A_173 : memref<!tpu.dma_semaphore, #tpu.memory_space<semaphore_mem>>)
    }
    %scan3A_69 = arith.constant 5 : i32
    %rem3A = arith.constant 3 : i32
    %rem3A_70 = arith.constant 2 : i32
    %rem3A_71 = arith.remsi %rem3A, %rem3A_70 : i32
    %sub3A_72 = arith.constant 16 : i32
    %sub3A_73 = arith.subi %add3A_7, %sub3A_72 : i32
    %min3A_74 = arith.constant 48 : i32
    %min3A_75 = arith.minsi %min3A_74, %sub3A_73 : i32
    %add3A_76 = arith.addi %add3A_4, %min3A_75 : i32
    %mul3A_77 = arith.constant 256 : i32
    %mul3A_78 = arith.muli %add3A_76, %mul3A_77 : i32
    %dma_wait3A = arith.constant 0 : i32
    %dma_wait3A_79 = tpu.memref_slice %arg9[%rem3A_71, %dma_wait3A] : memref<2x4096xf32, #tpu.memory_space<vmem>> -> memref<1x4096xf32, #tpu.memory_space<vmem>>
    %dma_wait3A_80 = tpu.memref_squeeze %dma_wait3A_79 : memref<1x4096xf32, #tpu.memory_space<vmem>> -> memref<4096xf32, #tpu.memory_space<vmem>>
    %dma_wait3A_81 = tpu.memref_slice %arg4[%mul3A_78] : memref<640000xf32, #tpu.memory_space<hbm>> -> memref<4096xf32, #tpu.memory_space<hbm>>
    %dma_wait3A_82 = tpu.memref_slice %arg11[%rem3A_71] : memref<2x!tpu.dma_semaphore, #tpu.memory_space<semaphore_mem>> -> memref<1x!tpu.dma_semaphore, #tpu.memory_space<semaphore_mem>>
    %dma_wait3A_83 = tpu.memref_squeeze %dma_wait3A_82 : memref<1x!tpu.dma_semaphore, #tpu.memory_space<semaphore_mem>> -> memref<!tpu.dma_semaphore, #tpu.memory_space<semaphore_mem>>
    %dma_wait3A_84 = tpu.memref_slice %arg4[%mul3A_78] : memref<640000xf32, #tpu.memory_space<hbm>> -> memref<4096xf32, #tpu.memory_space<hbm>>
    %dma_wait3A_85 = arith.constant 0 : i32
    %dma_wait3A_86 = tpu.memref_slice %arg9[%rem3A_71, %dma_wait3A_85] : memref<2x4096xf32, #tpu.memory_space<vmem>> -> memref<1x4096xf32, #tpu.memory_space<vmem>>
    %dma_wait3A_87 = tpu.memref_squeeze %dma_wait3A_86 : memref<1x4096xf32, #tpu.memory_space<vmem>> -> memref<4096xf32, #tpu.memory_space<vmem>>
    tpu.wait_dma2 semaphore(%dma_wait3A_83 : memref<!tpu.dma_semaphore, #tpu.memory_space<semaphore_mem>>) src(%dma_wait3A_87 : memref<4096xf32, #tpu.memory_space<vmem>>) dst(%dma_wait3A_84 : memref<4096xf32, #tpu.memory_space<hbm>>)
    %rem3A_88 = arith.constant 4 : i32
    %rem3A_89 = arith.constant 2 : i32
    %rem3A_90 = arith.remsi %rem3A_88, %rem3A_89 : i32
    %sub3A_91 = arith.constant 16 : i32
    %sub3A_92 = arith.subi %add3A_7, %sub3A_91 : i32
    %min3A_93 = arith.constant 64 : i32
    %min3A_94 = arith.minsi %min3A_93, %sub3A_92 : i32
    %add3A_95 = arith.addi %add3A_4, %min3A_94 : i32
    %mul3A_96 = arith.constant 256 : i32
    %mul3A_97 = arith.muli %add3A_95, %mul3A_96 : i32
    %dma_wait3A_98 = arith.constant 0 : i32
    %dma_wait3A_99 = tpu.memref_slice %arg9[%rem3A_90, %dma_wait3A_98] : memref<2x4096xf32, #tpu.memory_space<vmem>> -> memref<1x4096xf32, #tpu.memory_space<vmem>>
    %dma_wait3A_100 = tpu.memref_squeeze %dma_wait3A_99 : memref<1x4096xf32, #tpu.memory_space<vmem>> -> memref<4096xf32, #tpu.memory_space<vmem>>
    %dma_wait3A_101 = tpu.memref_slice %arg4[%mul3A_97] : memref<640000xf32, #tpu.memory_space<hbm>> -> memref<4096xf32, #tpu.memory_space<hbm>>
    %dma_wait3A_102 = tpu.memref_slice %arg11[%rem3A_90] : memref<2x!tpu.dma_semaphore, #tpu.memory_space<semaphore_mem>> -> memref<1x!tpu.dma_semaphore, #tpu.memory_space<semaphore_mem>>
    %dma_wait3A_103 = tpu.memref_squeeze %dma_wait3A_102 : memref<1x!tpu.dma_semaphore, #tpu.memory_space<semaphore_mem>> -> memref<!tpu.dma_semaphore, #tpu.memory_space<semaphore_mem>>
    %dma_wait3A_104 = tpu.memref_slice %arg4[%mul3A_97] : memref<640000xf32, #tpu.memory_space<hbm>> -> memref<4096xf32, #tpu.memory_space<hbm>>
    %dma_wait3A_105 = arith.constant 0 : i32
    %dma_wait3A_106 = tpu.memref_slice %arg9[%rem3A_90, %dma_wait3A_105] : memref<2x4096xf32, #tpu.memory_space<vmem>> -> memref<1x4096xf32, #tpu.memory_space<vmem>>
    %dma_wait3A_107 = tpu.memref_squeeze %dma_wait3A_106 : memref<1x4096xf32, #tpu.memory_space<vmem>> -> memref<4096xf32, #tpu.memory_space<vmem>>
    tpu.wait_dma2 semaphore(%dma_wait3A_103 : memref<!tpu.dma_semaphore, #tpu.memory_space<semaphore_mem>>) src(%dma_wait3A_107 : memref<4096xf32, #tpu.memory_space<vmem>>) dst(%dma_wait3A_104 : memref<4096xf32, #tpu.memory_space<hbm>>)
    return
  }
}

</mosaic_0001>

<sc_bundles>
// kernel: kernel.3.cloned.1.call-start
scs
__scs_entry_jumppad:
0x0: {  	(pc) =	sbr.rel $0x88, $3  }
0x1: {  	(tag) =	ssettag $0x0;
	lr =	simm.s32 $0x1  }
0x2: {  	[smem:$0x3F9F] =	sst lr;
	_ =	strace $0xD0000000  }
0x3: {  	_ = 	snop  }
0x4: {  	_ = 	snop  }
0x5: {  	_ = 	snop  }
0x6: {  	_ = 	snop  }
0x7: {  	_ = 	snop  }
__scs_overlays_trampoline_lowered:
0x8: {  	[smem:$0x3FAE] =	sst s0  }
0x9: {  	[smem:$0x3FAF] =	sst s1  }
0xa: {  	[smem:$0x3FB0] =	sst s2  }
0xb: {  	[smem:$0x3FB1] =	sst s3  }
0xc: {  	[smem:$0x3FB2] =	sst s4  }
0xd: {  	[smem:$0x3FB3] =	sst s5  }
0xe: {  	[smem:$0x3FB4] =	sst s6  }
0xf: {  	[smem:$0x3FB5] =	sst s7  }
0x10: {  	[smem:$0x3FB6] =	sst s8  }
0x11: {  	[smem:$0x3FB7] =	sst s9;
	s0 =	simm.s32 @!p0 $0x0  }
0x12: {  	s1 =	sld [smem:$0x3F9D];
	s0 =	simm.s32 @p0 $0x1  }
0x13: {  	[smem:$0x3FB8] =	sst s0;
	s0 =	simm.s32 @!p1 $0x0  }
0x14: {  	s2 =	sld [smem:$0x3F9C];
	s0 =	simm.s32 @p1 $0x1  }
0x15: {  	[smem:$0x3FB9] =	sst s0;
	s0 =	simm.s32 @!p2 $0x0  }
0x16: {  	s3 =	sld [smem:$0x3FDB];
	s0 =	simm.s32 @p2 $0x1  }
0x17: {  	s4 =	simm.s32 $0x1BF5;
	[smem:$0x3FBB] =	sst s0  }
0x18: {  	s0 =	sld [smem:$0x3F9E];
	_ =	swait.ge [sflag:s4], $0x0  }
0x19: {  	s7 =	sld [smem:$0x3F9F]  }
0x1a: {  	s8 =	sadd.s32 $0xFFFFE003, lr  }
0x1b: {  	s9 =	sadd.s32 $0xFFFFFEF7, lr;
	s5 =	simm.s32 $0xFFFFFFFF;
	p2 =	slt.u32 s8, $0xFFFFF086  }
0x1c: {  	p1 =	slt.u32 s9, $0xF7A;
	s5 =	simm.s32 @!p2 $0x0  }
0x1d: {  	s5 =	simm.s32 @p1 $0x1;
	p0 =	seq.s32 s7, s2  }
0x1e: {  	s7 =	smul.u32 @!p0 $0xF7A, s2;
	p2 =	seq.s32 @!p0 s5, $0x0  }
0x1f: {  	s9 =	smul.u32 $0xF7A, s1;
	s8 =	simm.s32 @!p0 $0x1BF5;
	p2 =	por !p2, p0  }
0x20: {  	[sflag:s8] =	ssyncset.s32 @!p0 $0xFFFFF086;
	s6 =	sadd.s32 @!p0 s3, s7;
	s7 =	simm.s32 @!p0 $0x108  }
0x21: {  	s3 =	sadd.s32 s3, s9;
	s6 =	sadd.s32 @!p0 $0x88, s6;
	s7 =	simm.s32 @p2 $0x1082  }
0x22: {  	[simem:s7], [sflag:s8] =	dma.local @!p0 [hbm:s6], $0xF7A  }
0x23: {  	s9 =	sor.u32 $0xD0000000, s2;
	s6 =	simm.s32 $0x108;
	_ =	swait.ge @!p0 [sflag:s8], $0x0  }
0x24: {  	s3 =	sadd.s32 $0x88, s3;
	s6 =	simm.s32 @!p1 $0x1082;
	[sflag:s4] =	ssyncset.s32 $0xFFFFF086  }
0x25: {  	[simem:s6], [sflag:s4] =	dma.local [hbm:s3], $0xF7A  }
0x26: {  	[smem:$0x3F9F] =	sst s1;
	(tag) =	ssettag s2;
	_ =	strace s9  }
0x27: {  	s1 =	sld [smem:$0x3FAF]  }
0x28: {  	s2 =	sld [smem:$0x3FB0]  }
0x29: {  	s4 =	sld [smem:$0x3FB2]  }
0x2a: {  	p0 =	seq.s32 s5, $0x0;
	s5 =	sld [smem:$0x3FB3]  }
0x2b: {  	s6 =	sld [smem:$0x3FB4]  }
0x2c: {  	s7 =	sld [smem:$0x3FB5]  }
0x2d: {  	s3 =	simm.s32 $0x108;
	s8 =	sld [smem:$0x3FB6]  }
0x2e: {  	s3 =	simm.s32 @!p0 $0x1082;
	s9 =	sld [smem:$0x3FB7]  }
0x2f: {  	lr =	sadd.s32 s0, s3;
	s0 =	sld [smem:$0x3FAE]  }
0x30: {  	s3 =	sld [smem:$0x3FB1]  }
0x31: {  	[smem:$0x3FBA] =	sst s10  }
0x32: {  	s10 =	sld [smem:$0x3FB8];
	_ =	sdelay $0x3  }
0x33: {  	p0 =	seq.s32 s10, $0x1;
	s10 =	sld [smem:$0x3FBA];
	_ =	sdelay $0x3  }
0x34: {  	[smem:$0x3FBA] =	sst s10  }
0x35: {  	s10 =	sld [smem:$0x3FB9];
	_ =	sdelay $0x3  }
0x36: {  	p1 =	seq.s32 s10, $0x1;
	s10 =	sld [smem:$0x3FBA];
	_ =	sdelay $0x3  }
0x37: {  	[smem:$0x3FBA] =	sst s10  }
0x38: {  	s10 =	sld [smem:$0x3FBB]  }
0x39: {  	_ = 	snop;
	(pc) =	sbr.ind lr, $3  }
0x3a: {  	_ = 	snop  }
0x3b: {  	_ = 	snop  }
0x3c: {  	p2 =	seq.s32 s10, $0x1;
	s10 =	sld [smem:$0x3FBA]  }
0x3d: {  	_ =	shalt  }
0x3e: {  	_ =	shalt  }
0x3f: {  	_ =	shalt  }
0x40: {  	_ =	shalt  }
0x41: {  	_ =	shalt  }
0x42: {  	_ =	shalt  }
0x43: {  	_ =	shalt  }
0x44: {  	_ =	shalt  }
0x45: {  	_ =	shalt  }
0x46: {  	_ =	shalt  }
0x47: {  	_ =	shalt  }
0x48: {  	_ =	shalt  }
0x49: {  	_ =	shalt  }
0x4a: {  	_ =	shalt  }
0x4b: {  	_ =	shalt  }
0x4c: {  	_ =	shalt  }
0x4d: {  	_ =	shalt  }
0x4e: {  	_ =	shalt  }
0x4f: {  	_ =	shalt  }
0x50: {  	_ =	shalt  }
0x51: {  	_ =	shalt  }
0x52: {  	_ =	shalt  }
0x53: {  	_ =	shalt  }
0x54: {  	_ =	shalt  }
0x55: {  	_ =	shalt  }
0x56: {  	_ =	shalt  }
0x57: {  	_ =	shalt  }
0x58: {  	_ =	shalt  }
0x59: {  	_ =	shalt  }
0x5a: {  	_ =	shalt  }
0x5b: {  	_ =	shalt  }
0x5c: {  	_ =	shalt  }
0x5d: {  	_ =	shalt  }
0x5e: {  	_ =	shalt  }
0x5f: {  	_ =	shalt  }
0x60: {  	_ =	shalt  }
0x61: {  	_ =	shalt  }
0x62: {  	_ =	shalt  }
0x63: {  	_ =	shalt  }
0x64: {  	_ =	shalt  }
0x65: {  	_ =	shalt  }
0x66: {  	_ =	shalt  }
0x67: {  	_ =	shalt  }
0x68: {  	_ =	shalt  }
0x69: {  	_ =	shalt  }
0x6a: {  	_ =	shalt  }
0x6b: {  	_ =	shalt  }
0x6c: {  	_ =	shalt  }
0x6d: {  	_ =	shalt  }
0x6e: {  	_ =	shalt  }
0x6f: {  	_ =	shalt  }
0x70: {  	_ =	shalt  }
0x71: {  	_ =	shalt  }
0x72: {  	_ =	shalt  }
0x73: {  	_ =	shalt  }
0x74: {  	_ =	shalt  }
0x75: {  	_ =	shalt  }
0x76: {  	_ =	shalt  }
0x77: {  	_ =	shalt  }
0x78: {  	_ =	shalt  }
0x79: {  	_ =	shalt  }
0x7a: {  	_ =	shalt  }
0x7b: {  	_ =	shalt  }
0x7c: {  	_ =	shalt  }
0x7d: {  	_ =	shalt  }
0x7e: {  	_ =	shalt  }
0x7f: {  	_ =	shalt  }
0x80: {  	_ =	shalt  }
0x81: {  	_ =	shalt  }
0x82: {  	_ =	shalt  }
0x83: {  	_ =	shalt  }
0x84: {  	_ =	shalt  }
0x85: {  	_ =	shalt  }
0x86: {  	_ =	shalt  }
0x87: {  	_ =	shalt  }
.Lfunc_end0:
.L_simem_size_0:
called_computation_lowered:
.L_overlay_start_0:
0x88: {  	s2 =	sld [smem:$0x3FD9]  }
0x89: {  	s3 =	sld [smem:$0x3FFE];
	_ =	sdelay $0x1  }
0x8a: {  	s1 =	srdreg.scid  }
0x8b: {  	s0 =	sand.u32 $0x1, s1  }
0x8c: {  	s18 =	sshll.u32 s0, $0xA;
	s2 =	sadd.s32 s3, s2  }
0x8d: {  	s2 =	sadd.s32 s2, s18  }
0x8e: {  	[smem:$0x3FC6] =	sst s2  }
0x8f: {  	_ = 	snop  }
0x90: {  	s2 =	sld [smem:$0x3FC9]  }
0x91: {  	s19 =	sld [smem:$0x3FC8]  }
0x92: {  	s4 =	sld [smem:$0x3FD0];
	(tm) =	ssettm $0x1  }
0x93: {  	s5 =	sld [smem:$0x3FFB];
	_ =	sdelay $0x3  }
0x94: {  	_ =	strace s5  }
0x95: {  	s5 =	sld [smem:$0x3FFC];
	_ =	sdelay $0x3  }
0x96: {  	_ =	strace s5  }
0x97: {  	s5 =	sld [smem:$0x3FFD];
	_ =	sdelay $0x3  }
0x98: {  	_ =	strace s5  }
0x99: {  	_ =	strace $0x8FFFFFFF  }
0x9a: {  	s20 =	sld [smem:$0x3FDB];
	_ =	sdelay $0x1  }
0x9b: {  	s6 =	simm.s32 $_scs_section_size  }
0x9c: {  	s7 =	simm.s32 $_size__tile_overlayer_lowered;
	s8 =	simm.s32 $_tile_overlayer_lowered  }
0x9d: {  	s23 =	simm.s32 $0x1BFF;
	s22 =	sshll.u32 s8, $0x1;
	s5 =	sadd.s32 s6, s20  }
0x9e: {  	s9 =	simm.s32 $0x0;
	s21 =	sshll.u32 s7, $0x1;
	s7 =	sadd.s32 s22, s5  }
0x9f: {  	[timem:s9], [sflag:s23] =	dma.local [hbm:s7], s21  }
0xa0: {  	_ =	swait.ge [sflag:s23], s21  }
0xa1: {  	s6 =	ssub.s32 $0x0, s21;
	[sflag:s23] =	ssyncset.done $0x0  }
0xa2: {  	[sflag:s23] =	ssyncadd.s32 s6;
	_ =	sdelay $0x1  }
0xa3: {  	s24 =	simm.s32 $0x1B8B  }
0xa4: {  	_ =	swait.ge [sflag:s24], $0x1  }
0xa5: {  	[sflag:s24] =	ssyncset.done $0x0  }
0xa6: {  	s25 =	simm.s32 $0x1B8E;
	[sflag:s24] =	ssyncadd.s32 $0xFFFFFFFF  }
0xa7: {  	s26 =	simm.s32 $execute0_lowered;
	[smem:$0x3FD2] =	sst s25  }
0xa8: {  	s6 =	sshll.u32 s26, $0x1;
	_ =	strace $0x80000046;
	[dreg:$0x1] =	wrdreg $0xFFFFFFFF  }
0xa9: {  	s28 =	simm.s32 $_size_execute0_lowered;
	s5 =	sadd.s32 s5, s6;
	[dreg:$0x0] =	wrdreg $0x0  }
0xaa: {  	s6 =	sshll.u32 s28, $0x1;
	[dreg:$0x2] =	wrdreg s5  }
0xab: {  	[dreg:$0x3] =	wrdreg s6  }
0xac: {  	[dreg:$0x4] =	wrdreg $0xC0  }
0xad: {  	_ =	task [dreg:s9], $0x5FFFF  }
0xae: {  	[dreg:$0x1] =	wrdreg $0xFFFFFFFF  }
0xaf: {  	[dreg:$0x0] =	wrdreg $0x60  }
0xb0: {  	[dreg:$0x2] =	wrdreg s2  }
0xb1: {  	[dreg:$0x3] =	wrdreg s19  }
0xb2: {  	[dreg:$0x4] =	wrdreg s4  }
0xb3: {  	[dreg:$0x5] =	wrdreg $0x9  }
0xb4: {  	_ =	task.clear_ibuf [dreg:s9], $0x6FFFF;
	_ =	strace $0x90000046  }
0xb5: {  	s29 =	simm.s32 $0x9;
	_ =	strace $0x80000048  }
0xb6: {  	_ =	swait.ge [sflag:s29], $0x1  }
0xb7: {  	[sflag:s29] =	ssyncadd.s32 $0xFFFFFFFF  }
0xb8: {  	_ =	strace $0x90000048  }
0xb9: {  	_ =	sfence  }
0xba: {  	s30 =	sld [smem:$0x0];
	_ =	sdelay $0x2  }
0xbb: {  	s31 =	sshll.u32 s1, $0xD;
	s1 =	sshrl.u32 s1, $0x2  }
0xbc: {  	s3 =	sand.u32 $0x4000, s31;
	s1 =	sadd.s32 s1, s30  }
0xbd: {  	s0 =	sor.u32 s3, s0;
	s1 =	sshll.u32 s1, $0x11  }
0xbe: {  	s0 =	sor.u32 s1, s0  }
0xbf: {  	s0 =	sadd.s32 $0x8F2B, s0  }
0xc0: {  	[sflag:s0] =	ssyncadd.remote.s32 $0x1  }
0xc1: {  	_ =	sfence.sel $0xFFFF  }
0xc2: {  	[dreg:$0x0] =	wrdreg $0xFFFFFFFF;
	(pc) =	sbr.abs _section_cstart, $3  }
0xc3: {  	[dreg:$0x1] =	wrdreg $0xFFFFFFFF  }
0xc4: {  	_ =	task.clear_ibuf [dreg:s9], $0x2FFFF;
	_ =	strace $0x9FFFFFFF  }
0xc5: {  	(tm) =	ssettm $0x7FFFFFFF  }
tec
execute0_lowered:
.L_overlay_start_1:
0x0: {  	(tag) =	ssettag $0x1  }
0x1: {  	s1 =	rddreg [dreg:$0x0]  }
0x2: {  	s3 =	rddreg [dreg:$0x1]  }
0x3: {  	s4 =	rddreg [dreg:$0x2]  }
0x4: {  	s0 =	rddreg [dreg:$0x3];
	s6 =	srdreg.scid  }
0x5: {  	s2 =	stileid.u32;
	s5 =	simm.s32 $0x0;
	s14 =	simm.s32 $0xAA00  }
0x6: {  	s15 =	simm.s32 $0x4;
	s16 =	simm.s32 $0x3;
	s17 =	simm.s32 $0x0  }
0x7: {  	s7 =	sand.u32 $0x1, s6;
	s29 =	sshll.u32 s2, $0x1;
	s12 =	smul.u32 $0x4E00, s2  }
0x8: {  	[smem:$0x7FF] =	sst s5;
	s6 =	sor.u32 s7, s29;
	s13 =	smul.u32 $0x2700, s7  }
0x9: {  	p0 =	slt.u32 s2, $0x2;
	s8 =	ssub.s32 $0x2, s7;
	s9 =	smul.u32 $0x4E, s6  }
0xa: {  	s10 =	sshrl.u32 s8, $0x1;
	s11 =	smin.u32 s6, $0x4;
	s6 =	simm.s32 $0x3F  }
0xb: {  	_ =	strace $0x80000047;
	s8 =	ssub.s32 s8, s10;
	s6 =	simm.s32 @!p0 $0x3E  }
0xc: {  	v1 =	vlaneseq.u32;
	s30 =	sadd.s32 s13, s12;
	s31 =	sshll.u32 s11, $0x7;
	s10 =	simm.s32 $0x800  }
0xd: {  	v2 =	vmul.u32 $0x10, v1;
	s12 =	simm.s32 $0x80;
	s13 =	simm.s32 $0x2780;
	s7 =	sadd.s32 s11, s9  }
0xe: {  	v3 =	vand.u32 $0x7, v1;
	v4 =	vmul.u32 $0x8, v1;
	s8 =	smax.u32 s8, $0x1;
	s9 =	sadd.s32 s31, s30;
	s11 =	simm.s32 $0x2A00;
	v0 =	vmov s7  }
.LBB2_1:
0xf: {  	s18 =	sadd.s32 $0x0, s9  }
0x10: {  	s19 =	sadd.s32 $0x10, s18;
	s20 =	sadd.s32 $0x30, s18  }
0x11: {  	v5 =	vmov s18;
	s18 =	sadd.s32 $0x20, s18;
	v6 =	vmov s19;
	v7 =	vmov s20  }
0x12: {  	v8 =	vmov s18;
	v5 =	vshll.u32 v5, $0x4;
	v7 =	vshll.u32 v7, $0x4  }
0x13: {  	s18 =	simm.s32 $0x20;
	v6 =	vshll.u32 v6, $0x4;
	v8 =	vshll.u32 v8, $0x4;
	v9 =	vor.u32 v2, v7  }
0x14: {  	s19 =	simm.s32 $0x40;
	v5 =	vor.u32 v2, v5;
	v6 =	vor.u32 v2, v6;
	v7 =	vor.u32 v2, v8;
	[tilespmem:s18+$0x10] =	vst v9  }
.LBB2_2:
0x15: {  	s20 =	sadd.s32 s19, s9  }
0x16: {  	p0 =	sne.s32 s19, $0x7C0;
	s19 =	sadd.s32 $0x40, s19;
	[tilespmem:s18+$0xFFFFFFF0] =	vst v6;
	s21 =	sadd.s32 $0x10, s20  }
.Ltmp0:
0x17: {  	v6 =	vmov s20;
	s22 =	sadd.s32 $0x20, s20;
	s20 =	sadd.s32 $0x30, s20;
	[tilespmem:s18+$0x0] =	vst v7;
	(pc) =	sbr.rel @p0 .LBB2_2-.Ltmp0, $4  }
0x18: {  	v7 =	vmov s21;
	v8 =	vmov s22;
	v9 =	vmov s20;
	[tilespmem:s18+$0xFFFFFFE0] =	vst v5  }
0x19: {  	v5 =	vshll.u32 v7, $0x4;
	v7 =	vshll.u32 v8, $0x4;
	v8 =	vshll.u32 v9, $0x4  }
0x1a: {  	s18 =	sadd.s32 $0x40, s18;
	v9 =	vshll.u32 v6, $0x4;
	v6 =	vor.u32 v2, v5;
	v8 =	vor.u32 v2, v8  }
0x1b: {  	v5 =	vor.u32 v2, v9;
	v7 =	vor.u32 v2, v7;
	[tilespmem:s18+$0x10] =	vst v8  }
0x1c: {  	[tilespmem:s18+$0xFFFFFFF0] =	vst v6  }
0x1d: {  	[tilespmem:s18+$0x0] =	vst v7  }
0x1e: {  	[tilespmem:s18+$0xFFFFFFE0] =	vst v5;
	s18 =	simm.s32 $0x0;
	p0 =	por $0x1, $0x1  }
.LBB2_4:
0x1f: {  	v5 =	vor.u32 s18, v1  }
0x20: {  	s19 =	sor.u32 $0x10, s18;
	s30 =	sor.u32 $0x20, s18;
	s31 =	sor.u32 $0x30, s18;
	v5 =	vshrl.u32 v5, $0x3  }
0x21: {  	v6 =	vor.u32 s19, v1;
	v7 =	vor.u32 s30, v1;
	v8 =	vor.u32 s31, v1  }
0x22: {  	v5 =	vadd.s32 v0, v5;
	v6 =	vshrl.u32 v6, $0x3;
	v7 =	vshrl.u32 v7, $0x3  }
0x23: {  	p1 =	por p0, p0;
	v8 =	vshrl.u32 v8, $0x3;
	v5 =	vshll.u32 v5, $0x6;
	v6 =	vadd.s32 v0, v6  }
.Ltmp1:
0x24: {  	v7 =	vadd.s32 v0, v7;
	v5 =	vor.u32 v3, v5;
	v6 =	vshll.u32 v6, $0x6;
	(pc) =	sbr.rel @p1 .LBB2_4-.Ltmp1, $4  }
0x25: {  	[tilespmem:s18+$0x2780] =	vst v5;
	v5 =	vor.u32 v3, v6;
	v6 =	vshll.u32 v7, $0x6;
	v7 =	vadd.s32 v0, v8  }
0x26: {  	[tilespmem:s18+$0x2790] =	vst v5;
	v5 =	vor.u32 v3, v6;
	v6 =	vshll.u32 v7, $0x6  }
0x27: {  	[tilespmem:s18+$0x27A0] =	vst v5;
	v5 =	vor.u32 v3, v6  }
0x28: {  	p0 =	por $0x0, $0x0;
	[tilespmem:s18+$0x27B0] =	vst v5;
	s18 =	simm.s32 $0x40  }
0x29: {  	s18 =	simm.s32 $0x0;
	s31 =	sadd.s32 $0x0, s9  }
0x2a: {  	[tilespmem:s11], [sflag:$0x1] =	stream.indirect.gather [hbm4b:s1+s10], $0x8, s18, s10, $0xb8;
	[tilespmem:$0xDA00] =	vst v63  }
0x2b: {  	s19 =	sadd.s32 $0x800, s31;
	s20 =	sadd.s32 $0x810, s31;
	s21 =	sadd.s32 $0x830, s31  }
0x2c: {  	s18 =	sadd.s32 $0x820, s31;
	v5 =	vmov s19;
	v6 =	vmov s20;
	v7 =	vmov s21  }
0x2d: {  	v8 =	vmov s18;
	s18 =	simm.s32 $0x830;
	v5 =	vshll.u32 v5, $0x4;
	v7 =	vshll.u32 v7, $0x4  }
0x2e: {  	[tilespmem:s14], [sflag:$0x1] =	stream.indirect.gather [hbm4b:s3+s12], $0x10, s13, s12, $0xb8;
	v6 =	vshll.u32 v6, $0x4;
	v8 =	vshll.u32 v8, $0x4;
	v9 =	vor.u32 v2, v7;
	[tilespmem:$0xDA00] =	vst v63  }
0x2f: {  	s19 =	simm.s32 $0x40;
	v7 =	vor.u32 v2, v5;
	v6 =	vor.u32 v2, v6;
	v5 =	vor.u32 v2, v8;
	[tilespmem:s18+$0x0] =	vst v9  }
.LBB2_6:
0x30: {  	s20 =	sadd.s32 s19, s9  }
0x31: {  	p0 =	sne.s32 s19, $0x1F40;
	s19 =	sadd.s32 $0x40, s19;
	[tilespmem:s18+$0xFFFFFFD0] =	vst v7;
	s21 =	sadd.s32 $0x800, s20  }
.Ltmp2:
0x32: {  	s22 =	sadd.s32 $0x810, s20;
	s23 =	sadd.s32 $0x830, s20;
	[tilespmem:s18+$0xFFFFFFE0] =	vst v6;
	(pc) =	sbr.rel @p0 .LBB2_6-.Ltmp2, $4  }
0x33: {  	s20 =	sadd.s32 $0x820, s20;
	v6 =	vmov s21;
	v7 =	vmov s22;
	v8 =	vmov s23;
	[tilespmem:s18+$0xFFFFFFF0] =	vst v5  }
0x34: {  	v5 =	vshll.u32 v6, $0x4;
	v6 =	vmov s20;
	v8 =	vshll.u32 v8, $0x4  }
0x35: {  	s18 =	sadd.s32 $0x40, s18;
	v9 =	vshll.u32 v7, $0x4;
	v10 =	vshll.u32 v6, $0x4;
	v8 =	vor.u32 v2, v8  }
0x36: {  	v7 =	vor.u32 v2, v5;
	v6 =	vor.u32 v2, v9;
	v5 =	vor.u32 v2, v10;
	[tilespmem:s18+$0x0] =	vst v8  }
0x37: {  	s19 =	simm.s32 $0xB0;
	s20 =	simm.s32 $0xA0  }
0x38: {  	s21 =	simm.s32 $0x80;
	s31 =	simm.s32 $0x90;
	v8 =	vor.u32 s20, v1;
	v9 =	vor.u32 s19, v1  }
0x39: {  	v10 =	vor.u32 s21, v1;
	v63 =	vor.u32 s31, v1;
	v8 =	vshrl.u32 v8, $0x3  }
0x3a: {  	[tilespmem:s18+$0xFFFFFFD0] =	vst v7;
	v9 =	vshrl.u32 v9, $0x3;
	v7 =	vshrl.u32 v10, $0x3;
	v8 =	vadd.s32 v0, v8  }
0x3b: {  	[tilespmem:s18+$0xFFFFFFE0] =	vst v6;
	v6 =	vadd.s32 v0, v7;
	v7 =	vshrl.u32 v63, $0x3;
	v8 =	vshll.u32 v8, $0x6  }
0x3c: {  	[tilespmem:s18+$0xFFFFFFF0] =	vst v5;
	s18 =	simm.s32 $0x2830;
	v5 =	vshll.u32 v6, $0x6;
	v6 =	vadd.s32 v0, v7;
	v7 =	vor.u32 v3, v8  }
0x3d: {  	v5 =	vor.u32 v3, v5;
	v6 =	vshll.u32 v6, $0x6;
	[tilespmem:s18+$0xFFFFFFF0] =	vst v7;
	v7 =	vadd.s32 v0, v9  }
0x3e: {  	s19 =	simm.s32 $0xF0;
	s21 =	simm.s32 $0xE0;
	s20 =	simm.s32 $0x130;
	[tilespmem:s18+$0xFFFFFFD0] =	vst v5;
	v5 =	vor.u32 v3, v6;
	v6 =	vshll.u32 v7, $0x6  }
.LBB2_8:
0x3f: {  	p0 =	sne.s32 s20, $0x270;
	s22 =	sadd.s32 $0xFFFFFFD0, s19;
	v7 =	vor.u32 s21, v1;
	v8 =	vor.u32 s19, v1;
	[tilespmem:s18+$0xFFFFFFE0] =	vst v5;
	v5 =	vor.u32 v3, v6  }
0x40: {  	s21 =	sadd.s32 $0xFFFFFFE0, s19;
	s19 =	smov.u32 s20;
	v6 =	vor.u32 s22, v1;
	v7 =	vshrl.u32 v7, $0x3;
	v8 =	vshrl.u32 v8, $0x3;
	[tilespmem:s18+$0x0] =	vst v5  }
.Ltmp3:
0x41: {  	v5 =	vshrl.u32 v6, $0x3;
	v6 =	vor.u32 s21, v1;
	v7 =	vadd.s32 v0, v7;
	(pc) =	sbr.rel @p0 .LBB2_8-.Ltmp3, $4  }
0x42: {  	v5 =	vadd.s32 v0, v5;
	v6 =	vshrl.u32 v6, $0x3;
	v7 =	vshll.u32 v7, $0x6  }
0x43: {  	s18 =	sadd.s32 $0x40, s18;
	v5 =	vshll.u32 v5, $0x6;
	v6 =	vadd.s32 v0, v6;
	v7 =	vor.u32 v3, v7  }
0x44: {  	v5 =	vor.u32 v3, v5;
	v6 =	vshll.u32 v6, $0x6;
	[tilespmem:s18+$0xFFFFFFF0] =	vst v7;
	v7 =	vadd.s32 v0, v8  }
0x45: {  	s20 =	sadd.s32 $0x40, s20;
	s21 =	sadd.s32 $0xFFFFFFF0, s19;
	[tilespmem:s18+$0xFFFFFFD0] =	vst v5;
	v5 =	vor.u32 v3, v6;
	v6 =	vshll.u32 v7, $0x6  }
0x46: {  	s20 =	sadd.s32 $0xFFFFFFD0, s19;
	v7 =	vor.u32 s21, v1;
	v8 =	vor.u32 s19, v1;
	v6 =	vor.u32 v3, v6  }
0x47: {  	s30 =	sadd.s32 $0xFFFFFFE0, s19;
	v9 =	vor.u32 s20, v1;
	v7 =	vshrl.u32 v7, $0x3;
	v8 =	vshrl.u32 v8, $0x3  }
0x48: {  	v10 =	vor.u32 s30, v1;
	v9 =	vshrl.u32 v9, $0x3;
	v7 =	vadd.s32 v0, v7  }
0x49: {  	[tilespmem:s18+$0xFFFFFFE0] =	vst v5;
	v63 =	vshrl.u32 v10, $0x3;
	v5 =	vadd.s32 v0, v9;
	v7 =	vshll.u32 v7, $0x6  }
0x4a: {  	s31 =	sadd.s32 $0x40, s18;
	[tilespmem:s18+$0x0] =	vst v6;
	v6 =	vadd.s32 v0, v63;
	v5 =	vshll.u32 v5, $0x6;
	v7 =	vor.u32 v3, v7  }
0x4b: {  	v6 =	vshll.u32 v6, $0x6;
	v5 =	vor.u32 v3, v5;
	[tilespmem:s31+$0xFFFFFFF0] =	vst v7;
	v7 =	vadd.s32 v0, v8  }
0x4c: {  	[tilespmem:s31+$0xFFFFFFD0] =	vst v5;
	v5 =	vor.u32 v3, v6;
	v6 =	vshll.u32 v7, $0x6  }
0x4d: {  	[tilespmem:s31+$0xFFFFFFE0] =	vst v5;
	v5 =	vor.u32 v3, v6  }
0x4e: {  	s19 =	simm.s32 $0x0;
	p0 =	por $0x0, $0x0;
	[tilespmem:s31+$0x0] =	vst v5  }
.LBB2_10:
0x4f: {  	s18 =	sadd.s32 $0x1, s19;
	p1 =	seq.s32 s19, $0x4  }
0x50: {  	s21 =	sand.u32 @!p1 $0x1, s18;
	s20 =	sshll.u32 @!p1 s18, $0x4;
	s25 =	simm.s32 @!p1 $0x800  }
0x51: {  	s22 =	sshll.u32 @!p1 s21, $0xE;
	s23 =	smin.u32 @!p1 s20, s6;
	s24 =	sadd.s32 @!p1 $0x1, s21  }
0x52: {  	s21 =	sshll.u32 @!p1 s21, $0xB;
	s20 =	sor.u32 @!p1 $0x2A00, s22;
	s22 =	sshll.u32 @!p1 s23, $0x7  }
0x53: {  	[tilespmem:s20], [sflag:s24] =	stream.indirect.gather @!p1 [hbm4b:s1+s25], $0x8, s22, s25, $0xb8;
	[tilespmem:$0xDA00] =	vst v63  }
0x54: {  	s21 =	sadd.s32 @!p1 $0xAA00, s21;
	s20 =	sand.u32 $0x1, s19;
	s22 =	sshll.u32 @!p1 s23, $0x3  }
0x55: {  	s23 =	simm.s32 @!p1 $0x80;
	s22 =	sadd.s32 @!p1 $0x2780, s22;
	s31 =	sadd.s32 $0x1, s20  }
0x56: {  	[tilespmem:s21], [sflag:s24] =	stream.indirect.gather @!p1 [hbm4b:s3+s23], $0x10, s22, s23, $0xb8;
	[tilespmem:$0xDA00] =	vst v63  }
0x57: {  	s23 =	simm.s32 $0x0;
	_ =	swait.ge [sflag:s31], $0x4000  }
0x58: {  	v5 =	vmov s23;
	[sflag:s31] =	ssyncset.done $0x0  }
0x59: {  	v5 =	vshll.u32 v5, $0x3;
	[sflag:s31] =	ssyncadd.s32 $0xFFFFC000  }
0x5a: {  	v5 =	vor.u32 v4, v5;
	_ =	swait.ge [sflag:s31], $0x800  }
0x5b: {  	p1 =	slt.u32 s19, $0x2;
	v5 =	vor.u32 $0x3, v5;
	[sflag:s31] =	ssyncset.done $0x0  }
0x5c: {  	s21 =	sadd.s32 @!p1 $0x3, s20;
	[sflag:s31] =	ssyncadd.s32 $0xFFFFF800  }
0x5d: {  	s22 =	simm.s32 $0x1;
	_ =	swait.ge @!p1 [sflag:s21], $0x1000  }
0x5e: {  	s24 =	sshll.u32 s20, $0xE;
	s22 =	simm.s32 @!p0 $0x0;
	[sflag:s21] =	ssyncset.done @!p1 $0x0  }
0x5f: {  	s25 =	sshll.u32 s22, $0xB;
	[sflag:s21] =	ssyncadd.s32 @!p1 $0xFFFFF000;
	s21 =	sor.u32 $0x2A00, s24  }
0x60: {  	s26 =	simm.s32 $0x10;
	s23 =	sadd.s32 $0xAA40, s25;
	v5 =	vld.idx.msk [tilespmem:v5+s21+$0x0], $0xffff  }
0x61: {  	v7 =	vmov s26;
	v6 =	vld [tilespmem:s23+$0xFFFFFFC0]  }
0x62: {  	v7 =	vshll.u32 v7, $0x3  }
0x63: {  	v7 =	vor.u32 v4, v7  }
0x64: {  	v7 =	vor.u32 $0x3, v7  }
0x65: {  	s22 =	sshll.u32 s22, $0xC  }
0x66: {  	s24 =	sadd.s32 $0xBA80, s22;
	v5 =	vmul.f32 v5, v6  }
0x67: {  	[tilespmem:s24+$0xFFFFFF80] =	vst v6  }
0x68: {  	[tilespmem:s24+$0x0] =	vst v5  }
0x69: {  	s28 =	simm.s32 $0x20;
	v5 =	vld.idx.msk [tilespmem:v7+s21+$0x0], $0xffff  }
0x6a: {  	v6 =	vld [tilespmem:s23+$0xFFFFFFD0];
	v7 =	vmov s28  }
0x6b: {  	v7 =	vshll.u32 v7, $0x3  }
0x6c: {  	v7 =	vor.u32 v4, v7  }
0x6d: {  	v7 =	vor.u32 $0x3, v7;
	_ =	sdelay $0x1  }
0x6e: {  	v5 =	vmul.f32 v5, v6  }
0x6f: {  	[tilespmem:s24+$0xFFFFFF90] =	vst v6  }
0x70: {  	[tilespmem:s24+$0x10] =	vst v5  }
0x71: {  	s30 =	simm.s32 $0x30;
	v5 =	vld.idx.msk [tilespmem:v7+s21+$0x0], $0xffff  }
0x72: {  	v6 =	vld [tilespmem:s23+$0xFFFFFFE0];
	v7 =	vmov s30  }
0x73: {  	v7 =	vshll.u32 v7, $0x3  }
0x74: {  	v7 =	vor.u32 v4, v7  }
0x75: {  	v7 =	vor.u32 $0x3, v7;
	_ =	sdelay $0x1  }
0x76: {  	v5 =	vmul.f32 v5, v6  }
0x77: {  	[tilespmem:s24+$0xFFFFFFA0] =	vst v6  }
0x78: {  	[tilespmem:s24+$0x20] =	vst v5  }
0x79: {  	s31 =	simm.s32 $0x40;
	v5 =	vld.idx.msk [tilespmem:v7+s21+$0x0], $0xffff  }
0x7a: {  	v6 =	vld [tilespmem:s23+$0xFFFFFFF0];
	v7 =	vmov s31  }
0x7b: {  	v7 =	vshll.u32 v7, $0x3  }
0x7c: {  	v7 =	vor.u32 v4, v7  }
0x7d: {  	v7 =	vor.u32 $0x3, v7;
	_ =	sdelay $0x1  }
0x7e: {  	v5 =	vmul.f32 v5, v6  }
0x7f: {  	[tilespmem:s24+$0xFFFFFFB0] =	vst v6  }
0x80: {  	[tilespmem:s24+$0x30] =	vst v5  }
0x81: {  	s25 =	simm.s32 $0x50;
	v5 =	vld.idx.msk [tilespmem:v7+s21+$0x0], $0xffff  }
0x82: {  	v6 =	vld [tilespmem:s23+$0x0];
	v7 =	vmov s25  }
0x83: {  	v7 =	vshll.u32 v7, $0x3  }
0x84: {  	v7 =	vor.u32 v4, v7  }
0x85: {  	v7 =	vor.u32 $0x3, v7;
	_ =	sdelay $0x1  }
0x86: {  	v5 =	vmul.f32 v5, v6  }
0x87: {  	[tilespmem:s24+$0xFFFFFFC0] =	vst v6  }
0x88: {  	[tilespmem:s24+$0x40] =	vst v5  }
0x89: {  	s26 =	simm.s32 $0x60;
	v5 =	vld.idx.msk [tilespmem:v7+s21+$0x0], $0xffff  }
0x8a: {  	v6 =	vld [tilespmem:s23+$0x10];
	v7 =	vmov s26  }
0x8b: {  	v7 =	vshll.u32 v7, $0x3  }
0x8c: {  	v7 =	vor.u32 v4, v7  }
0x8d: {  	v7 =	vor.u32 $0x3, v7;
	_ =	sdelay $0x1  }
0x8e: {  	v5 =	vmul.f32 v5, v6  }
0x8f: {  	[tilespmem:s24+$0xFFFFFFD0] =	vst v6  }
0x90: {  	[tilespmem:s24+$0x50] =	vst v5  }
0x91: {  	s28 =	simm.s32 $0x70;
	v5 =	vld.idx.msk [tilespmem:v7+s21+$0x0], $0xffff  }
0x92: {  	v6 =	vld [tilespmem:s23+$0x20];
	v7 =	vmov s28  }
0x93: {  	v7 =	vshll.u32 v7, $0x3  }
0x94: {  	v7 =	vor.u32 v4, v7  }
0x95: {  	v7 =	vor.u32 $0x3, v7;
	_ =	sdelay $0x1  }
0x96: {  	v5 =	vmul.f32 v5, v6  }
0x97: {  	[tilespmem:s24+$0xFFFFFFE0] =	vst v6  }
0x98: {  	[tilespmem:s24+$0x60] =	vst v5  }
0x99: {  	s30 =	simm.s32 $0x80;
	v6 =	vld.idx.msk [tilespmem:v7+s21+$0x0], $0xffff  }
0x9a: {  	v5 =	vmov s30;
	v7 =	vld [tilespmem:s23+$0x30]  }
0x9b: {  	v5 =	vshll.u32 v5, $0x3  }
0x9c: {  	v5 =	vor.u32 v4, v5  }
0x9d: {  	v5 =	vor.u32 $0x3, v5  }
0x9e: {  	s31 =	sshll.u32 s20, $0xC  }
0x9f: {  	s29 =	simm.s32 $0x170;
	s22 =	sadd.s32 $0xBA00, s31;
	s25 =	simm.s32 $0xF0;
	[tilespmem:s24+$0xFFFFFFF0] =	vst v7;
	v6 =	vmul.f32 v6, v7  }
.LBB2_11:
0xa0: {  	s23 =	sadd.s32 $0x80, s23  }
0xa1: {  	s28 =	smov.u32 s29;
	s26 =	sadd.s32 $0x80, s29;
	[tilespmem:s24+$0x70] =	vst v6;
	s24 =	sadd.s32 $0x100, s24  }
0xa2: {  	p1 =	sne.s32 s29, $0x7F0;
	s29 =	sadd.s32 $0xFFFFFFA0, s25;
	v5 =	vld.idx.msk [tilespmem:v5+s21+$0x0], $0xffff  }
0xa3: {  	v7 =	vmov s29;
	v6 =	vld [tilespmem:s23+$0xFFFFFFC0]  }
0xa4: {  	v7 =	vshll.u32 v7, $0x3  }
0xa5: {  	v7 =	vor.u32 v4, v7  }
0xa6: {  	v7 =	vor.u32 $0x3, v7;
	_ =	sdelay $0x1  }
0xa7: {  	v5 =	vmul.f32 v5, v6  }
0xa8: {  	[tilespmem:s24+$0xFFFFFF80] =	vst v6  }
0xa9: {  	[tilespmem:s24+$0x0] =	vst v5  }
0xaa: {  	s29 =	sadd.s32 $0xFFFFFFB0, s25;
	v5 =	vld.idx.msk [tilespmem:v7+s21+$0x0], $0xffff  }
0xab: {  	v7 =	vmov s29;
	v6 =	vld [tilespmem:s23+$0xFFFFFFD0]  }
0xac: {  	v7 =	vshll.u32 v7, $0x3  }
0xad: {  	v7 =	vor.u32 v4, v7  }
0xae: {  	v7 =	vor.u32 $0x3, v7;
	_ =	sdelay $0x1  }
0xaf: {  	v5 =	vmul.f32 v5, v6  }
0xb0: {  	[tilespmem:s24+$0xFFFFFF90] =	vst v6  }
0xb1: {  	[tilespmem:s24+$0x10] =	vst v5  }
0xb2: {  	s29 =	sadd.s32 $0xFFFFFFC0, s25;
	v5 =	vld.idx.msk [tilespmem:v7+s21+$0x0], $0xffff  }
0xb3: {  	v7 =	vmov s29;
	v6 =	vld [tilespmem:s23+$0xFFFFFFE0]  }
0xb4: {  	v7 =	vshll.u32 v7, $0x3  }
0xb5: {  	v7 =	vor.u32 v4, v7  }
0xb6: {  	v7 =	vor.u32 $0x3, v7;
	_ =	sdelay $0x1  }
0xb7: {  	v5 =	vmul.f32 v5, v6  }
0xb8: {  	[tilespmem:s24+$0xFFFFFFA0] =	vst v6  }
0xb9: {  	[tilespmem:s24+$0x20] =	vst v5  }
0xba: {  	s29 =	sadd.s32 $0xFFFFFFD0, s25;
	v5 =	vld.idx.msk [tilespmem:v7+s21+$0x0], $0xffff  }
0xbb: {  	v7 =	vmov s29;
	v6 =	vld [tilespmem:s23+$0xFFFFFFF0]  }
0xbc: {  	v7 =	vshll.u32 v7, $0x3  }
0xbd: {  	v7 =	vor.u32 v4, v7  }
0xbe: {  	v7 =	vor.u32 $0x3, v7;
	_ =	sdelay $0x1  }
0xbf: {  	[tilespmem:s24+$0xFFFFFFB0] =	vst v6;
	v5 =	vmul.f32 v5, v6;
	_ =	sdelay $0x1  }
0xc0: {  	[tilespmem:s24+$0x30] =	vst v5  }
0xc1: {  	s29 =	sadd.s32 $0xFFFFFFE0, s25;
	v5 =	vld.idx.msk [tilespmem:v7+s21+$0x0], $0xffff  }
0xc2: {  	v7 =	vmov s29;
	v6 =	vld [tilespmem:s23+$0x0]  }
0xc3: {  	v7 =	vshll.u32 v7, $0x3  }
0xc4: {  	v7 =	vor.u32 v4, v7  }
0xc5: {  	v7 =	vor.u32 $0x3, v7;
	_ =	sdelay $0x1  }
0xc6: {  	[tilespmem:s24+$0xFFFFFFC0] =	vst v6;
	v5 =	vmul.f32 v5, v6;
	_ =	sdelay $0x1  }
0xc7: {  	[tilespmem:s24+$0x40] =	vst v5  }
0xc8: {  	s29 =	sadd.s32 $0xFFFFFFF0, s25;
	v5 =	vld.idx.msk [tilespmem:v7+s21+$0x0], $0xffff  }
0xc9: {  	v7 =	vmov s29;
	v6 =	vld [tilespmem:s23+$0x10]  }
0xca: {  	v7 =	vshll.u32 v7, $0x3  }
0xcb: {  	v7 =	vor.u32 v4, v7  }
0xcc: {  	v7 =	vor.u32 $0x3, v7;
	_ =	sdelay $0x1  }
0xcd: {  	[tilespmem:s24+$0xFFFFFFD0] =	vst v6;
	v5 =	vmul.f32 v5, v6;
	_ =	sdelay $0x1  }
0xce: {  	[tilespmem:s24+$0x50] =	vst v5  }
0xcf: {  	v5 =	vld.idx.msk [tilespmem:v7+s21+$0x0], $0xffff  }
0xd0: {  	v7 =	vmov s25;
	s25 =	smov.u32 s28;
	v6 =	vld [tilespmem:s23+$0x20]  }
0xd1: {  	v7 =	vshll.u32 v7, $0x3  }
0xd2: {  	v7 =	vor.u32 v4, v7  }
0xd3: {  	v7 =	vor.u32 $0x3, v7;
	_ =	sdelay $0x1  }
0xd4: {  	[tilespmem:s24+$0xFFFFFFE0] =	vst v6;
	v5 =	vmul.f32 v5, v6;
	_ =	sdelay $0x1  }
0xd5: {  	[tilespmem:s24+$0x60] =	vst v5  }
0xd6: {  	s28 =	sadd.s32 $0xFFFFFF90, s25;
	v6 =	vld.idx.msk [tilespmem:v7+s21+$0x0], $0xffff  }
0xd7: {  	v5 =	vmov s28;
	v7 =	vld [tilespmem:s23+$0x30]  }
.Ltmp4:
0xd8: {  	v5 =	vshll.u32 v5, $0x3;
	(pc) =	sbr.rel @p1 .LBB2_11-.Ltmp4, $3  }
0xd9: {  	v5 =	vor.u32 v4, v5  }
0xda: {  	v5 =	vor.u32 $0x3, v5;
	_ =	sdelay $0x1  }
0xdb: {  	s29 =	smov.u32 s26;
	[tilespmem:s24+$0xFFFFFFF0] =	vst v7;
	v6 =	vmul.f32 v6, v7  }
0xdc: {  	_ =	sdelay $0x2  }
0xdd: {  	[tilespmem:s24+$0x70] =	vst v6  }
0xde: {  	s23 =	sadd.s32 $0x80, s23;
	s26 =	sadd.s32 $0xFFFFFFA0, s25;
	v5 =	vld.idx.msk [tilespmem:v5+s21+$0x0], $0xffff  }
0xdf: {  	v7 =	vmov s26;
	v6 =	vld [tilespmem:s23+$0xFFFFFFC0]  }
0xe0: {  	v7 =	vshll.u32 v7, $0x3  }
0xe1: {  	v7 =	vor.u32 v4, v7  }
0xe2: {  	v7 =	vor.u32 $0x3, v7;
	_ =	sdelay $0x1  }
0xe3: {  	s24 =	sadd.s32 $0x100, s24;
	v5 =	vmul.f32 v5, v6  }
0xe4: {  	[tilespmem:s24+$0xFFFFFF80] =	vst v6  }
0xe5: {  	[tilespmem:s24+$0x0] =	vst v5  }
0xe6: {  	s31 =	sadd.s32 $0xFFFFFFB0, s25;
	v5 =	vld.idx.msk [tilespmem:v7+s21+$0x0], $0xffff  }
0xe7: {  	v6 =	vld [tilespmem:s23+$0xFFFFFFD0];
	v7 =	vmov s31  }
0xe8: {  	v7 =	vshll.u32 v7, $0x3  }
0xe9: {  	v7 =	vor.u32 v4, v7  }
0xea: {  	v7 =	vor.u32 $0x3, v7;
	_ =	sdelay $0x1  }
0xeb: {  	v5 =	vmul.f32 v5, v6  }
0xec: {  	[tilespmem:s24+$0xFFFFFF90] =	vst v6  }
0xed: {  	[tilespmem:s24+$0x10] =	vst v5  }
0xee: {  	s28 =	sadd.s32 $0xFFFFFFC0, s25;
	v5 =	vld.idx.msk [tilespmem:v7+s21+$0x0], $0xffff  }
0xef: {  	v6 =	vld [tilespmem:s23+$0xFFFFFFE0];
	v7 =	vmov s28  }
0xf0: {  	v7 =	vshll.u32 v7, $0x3  }
0xf1: {  	v7 =	vor.u32 v4, v7  }
0xf2: {  	v7 =	vor.u32 $0x3, v7;
	_ =	sdelay $0x1  }
0xf3: {  	v5 =	vmul.f32 v5, v6  }
0xf4: {  	[tilespmem:s24+$0xFFFFFFA0] =	vst v6  }
0xf5: {  	[tilespmem:s24+$0x20] =	vst v5  }
0xf6: {  	s29 =	sadd.s32 $0xFFFFFFD0, s25;
	v5 =	vld.idx.msk [tilespmem:v7+s21+$0x0], $0xffff  }
0xf7: {  	v6 =	vld [tilespmem:s23+$0xFFFFFFF0];
	v7 =	vmov s29  }
0xf8: {  	v7 =	vshll.u32 v7, $0x3  }
0xf9: {  	v7 =	vor.u32 v4, v7  }
0xfa: {  	v7 =	vor.u32 $0x3, v7;
	_ =	sdelay $0x1  }
0xfb: {  	v5 =	vmul.f32 v5, v6  }
0xfc: {  	[tilespmem:s24+$0xFFFFFFB0] =	vst v6  }
0xfd: {  	[tilespmem:s24+$0x30] =	vst v5  }
0xfe: {  	s30 =	sadd.s32 $0xFFFFFFE0, s25;
	v5 =	vld.idx.msk [tilespmem:v7+s21+$0x0], $0xffff  }
0xff: {  	v6 =	vld [tilespmem:s23+$0x0];
	v7 =	vmov s30  }
0x100: {  	v7 =	vshll.u32 v7, $0x3  }
0x101: {  	v7 =	vor.u32 v4, v7  }
0x102: {  	v7 =	vor.u32 $0x3, v7;
	_ =	sdelay $0x1  }
0x103: {  	v5 =	vmul.f32 v5, v6  }
0x104: {  	[tilespmem:s24+$0xFFFFFFC0] =	vst v6  }
0x105: {  	[tilespmem:s24+$0x40] =	vst v5  }
0x106: {  	s31 =	sadd.s32 $0xFFFFFFF0, s25;
	v5 =	vld.idx.msk [tilespmem:v7+s21+$0x0], $0xffff  }
0x107: {  	v6 =	vld [tilespmem:s23+$0x10];
	v7 =	vmov s31  }
0x108: {  	v7 =	vshll.u32 v7, $0x3  }
0x109: {  	v7 =	vor.u32 v4, v7  }
0x10a: {  	v7 =	vor.u32 $0x3, v7;
	_ =	sdelay $0x1  }
0x10b: {  	v5 =	vmul.f32 v5, v6  }
0x10c: {  	[tilespmem:s24+$0xFFFFFFD0] =	vst v6  }
0x10d: {  	[tilespmem:s24+$0x50] =	vst v5  }
0x10e: {  	v5 =	vld.idx.msk [tilespmem:v7+s21+$0x0], $0xffff  }
0x10f: {  	v6 =	vld [tilespmem:s23+$0x20];
	v7 =	vmov s25  }
0x110: {  	v7 =	vshll.u32 v7, $0x3  }
0x111: {  	v7 =	vor.u32 v4, v7  }
0x112: {  	v7 =	vor.u32 $0x3, v7;
	_ =	sdelay $0x1  }
0x113: {  	v5 =	vmul.f32 v5, v6  }
0x114: {  	[tilespmem:s24+$0xFFFFFFE0] =	vst v6  }
0x115: {  	[tilespmem:s24+$0x60] =	vst v5  }
0x116: {  	v5 =	vld.idx.msk [tilespmem:v7+s21+$0x0], $0xffff  }
0x117: {  	v6 =	vld [tilespmem:s23+$0x30];
	_ =	sdelay $0x2  }
0x118: {  	s19 =	sshll.u32 s19, $0x4  }
0x119: {  	p1 =	sne.s32 s18, $0x5;
	s19 =	smin.u32 s19, s6  }
.Ltmp5:
0x11a: {  	s19 =	sadd.s32 s7, s19;
	v5 =	vmul.f32 v5, v6;
	(pc) =	sbr.rel @p1 .LBB2_10-.Ltmp5, $4  }
0x11b: {  	s19 =	sshll.u32 s19, $0x5;
	[tilespmem:s24+$0xFFFFFFF0] =	vst v6  }
0x11c: {  	s20 =	sadd.s32 $0x3, s20;
	s19 =	sadd.s32 s4, s19;
	[tilespmem:s24+$0x70] =	vst v5  }
0x11d: {  	[hbm4b:s19+s5] =	stream.linear.scatter [tilespmem:s22], [sflag:s20], $0x1000, $0x38;
	[tilespmem:$0xDA00] =	vst v63  }
0x11e: {  	p0 =	por !p0, !p0;
	s19 =	smov.u32 s18  }
0x11f: {  	s17 =	sadd.s32 $0x1, s17  }
0x120: {  	_ =	swait.ge [sflag:s15], $0x1000;
	p0 =	sne.s32 s17, s8  }
.Ltmp6:
0x121: {  	[sflag:s15] =	ssyncset.done $0x0;
	(pc) =	sbr.rel @p0 .LBB2_1-.Ltmp6, $4  }
0x122: {  	[sflag:s15] =	ssyncadd.s32 $0xFFFFF000  }
0x123: {  	_ =	swait.ge [sflag:s16], $0x1000  }
0x124: {  	[sflag:s16] =	ssyncset.done $0x0  }
0x125: {  	[sflag:s16] =	ssyncadd.s32 $0xFFFFF000  }
0x126: {  	_ =	sfence.sel $0x180000  }
0x127: {  	[bflag:$0x0] =	sbarrier.arrive $0xFFFF  }
0x128: {  	p0 =	sne.s32 s2, $0x0;
	_ =	strace $0x90000047  }
0x129: {  	s0 =	sadd.s32 @!p0 $0x100000, s0;
	[bflag:$0x2] =	sbarrier.arrive $0xFFFF  }
0x12a: {  	[sflag:s0] =	ssyncadd.tile.s32 @!p0 $0x1;
	_ =	shalt  }
.Lfunc_end2:
_tile_overlayer_lowered:
.L_overlay_start_2:
0x12b: {  	(tag) =	ssettag $0x2  }
0x12c: {  	s0 =	rddreg [dreg:$0x0];
	s2 =	stileid.u32  }
0x12d: {  	s1 =	rddreg [dreg:$0x1];
	p0 =	sne.s32 s2, $0x0  }
0x12e: {  	s3 =	rddreg [dreg:$0x2];
	[bflag:$0x3] =	sbarrier.arrive $0xFFFF;
	s2 =	simm.s32 @!p0 $0x1C05  }
0x12f: {  	[timem:s3], [sflag:s2] =	dma.local @!p0 [hbm:s0], s1  }
0x130: {  	s0 =	simm.s32 @!p0 $0x5  }
0x131: {  	_ =	swait.ge @!p0 [sflag:s0], s1  }
0x132: {  	s1 =	ssub.s32 @!p0 $0x0, s1;
	[sflag:s0] =	ssyncset.done @!p0 $0x0  }
0x133: {  	[sflag:s0] =	ssyncadd.s32 @!p0 s1  }
0x134: {  	[bflag:$0x3] =	sbarrier.arrive $0xFFFF  }
0x135: {  	_ =	shalt  }

</sc_bundles>
